<compile_context>
chip_gen: v7x
topology: tpu7x:2x2x1
jax: 0.10.2.dev20260603
libtpu: 0.0.44.dev20260713+nightly
codegen_flags: <defaults>
</compile_context>

<pallas_src>
import functools

import jax
import jax.numpy as jnp
from jax import lax
from jax.experimental import pallas as pl
from jax.experimental.pallas import tpu as pltpu
from jax.experimental.pallas import tpu_sc as plsc

B, C, FH, FW = 8, 256, 128, 128
HW = FH * FW
N = 4096
NR = N // FW
L = 16
NUM_TILES = 32
TILES_PER_BATCH = NUM_TILES // B
C_PER_TILE = C // TILES_PER_BATCH
NGROUPS = N // L
NBUF = 4
PAD = 8


def _transpose_body(x_ref, o_ref):
    o_ref[0] = jnp.swapaxes(x_ref[0], 0, 1).reshape(C // 2 * NR, FW)


def _transpose_feats(ins_feats):
    return pl.pallas_call(
        _transpose_body,
        grid=(B, 2),
        in_specs=[pl.BlockSpec((1, N, C // 2), lambda b, j: (b, 0, j))],
        out_specs=pl.BlockSpec((1, C // 2 * NR, FW), lambda b, j: (b, j, 0)),
        out_shape=jax.ShapeDtypeStruct((B, C * NR, FW), jnp.float32),
    )(ins_feats)


def _sc_body(fm_hbm, ids_hbm, vals_hbm, out_hbm,
             ids_v, claim_v, hw_v,
             vals_bufs, row_bufs, sem_in, sem_out):
    wid = lax.axis_index("s") * 2 + lax.axis_index("c")
    b = wid // TILES_PER_BATCH
    c0 = (wid % TILES_PER_BATCH) * C_PER_TILE

    iota = lax.iota(jnp.int32, L)

    def start_in(r, s):
        pltpu.async_copy(fm_hbm.at[b, c0 + r],
                         row_bufs[s].at[pl.ds(0, FH)], sem_in.at[s])
        pltpu.async_copy(vals_hbm.at[b, pl.ds((c0 + r) * NR, NR)],
                         vals_bufs[s], sem_in.at[s])

    start_in(0, 0)
    start_in(1, 1)
    start_in(2, 2)

    pltpu.sync_copy(ids_hbm.at[b], ids_v)

    def claim_body(g, _):
        k = ids_v[g >> 3, pl.ds((g & 7) * L, L)]
        nvec = g * L + iota
        _, last = plsc.scan_count(k)
        plsc.store_scatter(claim_v, [k], nvec, mask=last)
        return 0

    lax.fori_loop(0, NGROUPS, claim_body, 0)

    def win_body(g):
        k = ids_v[g >> 3, pl.ds((g & 7) * L, L)]
        nvec = g * L + iota
        w = plsc.load_gather(claim_v, [k])
        hw_v[pl.ds(g * L, L)] = jnp.where(w == nvec, k, (k & 127) | HW)

    plsc.parallel_loop(0, NGROUPS, unroll=2)(win_body)

    def wait_in(s):
        pltpu.make_async_copy(fm_hbm.at[b, c0],
                              row_bufs[s].at[pl.ds(0, FH)],
                              sem_in.at[s]).wait()
        pltpu.make_async_copy(vals_hbm.at[b, pl.ds(0, NR)], vals_bufs[s],
                              sem_in.at[s]).wait()

    def start_out(r, s):
        pltpu.async_copy(row_bufs[s].at[pl.ds(0, FH)],
                         out_hbm.at[b, c0 + r], sem_out.at[s])

    def wait_out(s):
        pltpu.make_async_copy(row_bufs[s].at[pl.ds(0, FH)],
                              out_hbm.at[b, c0], sem_out.at[s]).wait()

    def chunk_body(chunk):
        for s in range(NBUF):
            r = chunk * NBUF + s
            wait_in(s)
            s2 = (s + 3) % NBUF

            @pl.when(jnp.logical_and(r >= 1, r + 3 < C_PER_TILE))
            def _():
                wait_out(s2)

            @pl.when(r + 3 < C_PER_TILE)
            def _():
                start_in(r + 3, s2)

            def scat_body(g):
                hw = hw_v[pl.ds(g * L, L)]
                v = vals_bufs[s][g >> 3, pl.ds((g & 7) * L, L)]
                plsc.store_scatter(row_bufs[s], [hw >> 7, hw & 127], v)

            plsc.parallel_loop(0, NGROUPS, unroll=4)(scat_body)
            start_out(r, s)

    pl.loop(0, C_PER_TILE // NBUF)(chunk_body)

    for s in range(NBUF):
        wait_out(s)


@functools.partial(
    pl.kernel,
    out_type=jax.ShapeDtypeStruct((B, C, FH, FW), jnp.float32),
    mesh=plsc.VectorSubcoreMesh(core_axis_name="c", subcore_axis_name="s"),
    compiler_params=pltpu.CompilerParams(needs_layout_passes=False),
    scratch_types=[
        pltpu.VMEM((NR, FW), jnp.int32),
        pltpu.VMEM((HW,), jnp.int32),
        pltpu.VMEM((N,), jnp.int32),
        pltpu.VMEM((NR, FW), jnp.float32),
        pltpu.VMEM((NR, FW), jnp.float32),
        pltpu.VMEM((NR, FW), jnp.float32),
        pltpu.VMEM((NR, FW), jnp.float32),
        pltpu.VMEM((FH + PAD, FW), jnp.float32),
        pltpu.VMEM((FH + PAD, FW), jnp.float32),
        pltpu.VMEM((FH + PAD, FW), jnp.float32),
        pltpu.VMEM((FH + PAD, FW), jnp.float32),
        pltpu.SemaphoreType.DMA((NBUF,)),
        pltpu.SemaphoreType.DMA((NBUF,)),
    ],
)
def _sc_insert(fm_hbm, ids_hbm, vals_hbm, out_hbm,
               ids_v, claim_v, hw_v,
               vals_v0, vals_v1, vals_v2, vals_v3,
               row_v0, row_v1, row_v2, row_v3, sem_in, sem_out):
    _sc_body(fm_hbm, ids_hbm, vals_hbm, out_hbm,
             ids_v, claim_v, hw_v,
             [vals_v0, vals_v1, vals_v2, vals_v3],
             [row_v0, row_v1, row_v2, row_v3], sem_in, sem_out)


def kernel(feat_map, ins_ids, ins_feats):
    ids3 = ins_ids.astype(jnp.int32).reshape(B, NR, FW)
    vals3 = _transpose_feats(ins_feats.astype(jnp.float32))
    out4 = _sc_insert(feat_map, ids3, vals3)
    return out4

# --- scband reference (transcript-rebuilt; emitter-appended) ---
"""Pipeline reference for scband-sparse-insert2d-38388417692100 (READ-ONLY COPY).

The authoritative reference and input builder live on the scoring server;
editing this copy changes nothing except your own understanding.
"""

import jax, jax.numpy as jnp
import numpy as np


def setup_inputs(seed: int = 0) -> dict:
    key = jax.random.key(seed)
    k1, k2, k3 = jax.random.split(key, 3)
    B, C, fH, fW = 8, 256, 128, 128
    num_inserts = 4096
    feat_map = jax.random.normal(k1, (B, C, fH, fW), dtype=jnp.float32)
    ins_ids = jax.random.randint(k2, (B, num_inserts), 0, fH * fW, dtype=jnp.int64)
    ins_feats = jax.random.normal(k3, (B, num_inserts, C), dtype=jnp.float32)
    return {"feat_map": feat_map, "ins_ids": ins_ids, "ins_feats": ins_feats}


def reference(feat_map, ins_ids, ins_feats):
    # Faithful translation of SparseInsert2d.forward (with out_key set, i.e. non-inplace clone).
    # feat_map: [B, C, fH, fW]; ins_ids: [B, N] (2D-flattened spatial indices);
    # ins_feats: [B, N, C].
    B, C, fH, fW = feat_map.shape
    fm = feat_map.reshape(B, C, fH * fW)

    def _scatter_one(fm_b, ids_b, feats_b):
        # torch: fm_b.scatter_(dim=1, index=ids_b expanded over C, src=feats_b.T)
        # -> overwrite columns ids_b with feats_b.T ([C, N])
        return fm_b.at[:, ids_b].set(feats_b.T)

    fm = jax.vmap(_scatter_one)(fm, ins_ids, ins_feats)
    out = fm.reshape(B, C, fH, fW)
    return out

if __name__ == "__main__":
    import jax
    _d = setup_inputs()
    print(jax.jit(kernel)(*tuple(_d.values())))

</pallas_src>

<mosaic_0001>
#map = affine_map<(d0, d1) -> (0, 0, 0, 0)>
#map1 = affine_map<(d0, d1) -> (0, 0, 0)>
module attributes {stable_mosaic.version = 14 : i64} {
  func.func @_sc_insert(%arg0: i32, %arg1: i32, %arg2: memref<8x256x128x128xf32, #tpu.memory_space<hbm>>, %arg3: memref<8x32x128xi32, #tpu.memory_space<hbm>>, %arg4: memref<8x8192x128xf32, #tpu.memory_space<hbm>>, %arg5: memref<8x256x128x128xf32, #tpu.memory_space<hbm>>, %arg6: memref<32x128xi32, #tpu.memory_space<vmem>>, %arg7: memref<16384xi32, #tpu.memory_space<vmem>>, %arg8: memref<4096xi32, #tpu.memory_space<vmem>>, %arg9: memref<32x128xf32, #tpu.memory_space<vmem>>, %arg10: memref<32x128xf32, #tpu.memory_space<vmem>>, %arg11: memref<32x128xf32, #tpu.memory_space<vmem>>, %arg12: memref<32x128xf32, #tpu.memory_space<vmem>>, %arg13: memref<136x128xf32, #tpu.memory_space<vmem>>, %arg14: memref<136x128xf32, #tpu.memory_space<vmem>>, %arg15: memref<136x128xf32, #tpu.memory_space<vmem>>, %arg16: memref<136x128xf32, #tpu.memory_space<vmem>>, %arg17: memref<4x!tpu.dma_semaphore, #tpu.memory_space<semaphore_mem>>, %arg18: memref<4x!tpu.dma_semaphore, #tpu.memory_space<semaphore_mem>>) attributes {dimension_semantics = [#tpu.dimension_semantics<core_parallel>, #tpu.dimension_semantics<subcore_parallel>], iteration_bounds = array<i64: 2, 16>, scalar_prefetch = 0 : i64, scratch_operands = 13 : i64, tpu.core_type = #tpu.core_type<sc_vector_subcore>, window_params = [{transform_indices = #map}, {transform_indices = #map1}, {transform_indices = #map1}, {transform_indices = #map}]} {
    %mul3A = arith.constant 2 : i32
    %mul3A_0 = arith.muli %arg1, %mul3A : i32
    %add3A = arith.addi %mul3A_0, %arg0 : i32
    %jit3A = arith.constant 4 : i32
    %div3A = arith.divsi %add3A, %jit3A : i32
    %sign3A = arith.constant 0 : i32
    %sign3A_1 = arith.cmpi sgt, %add3A, %sign3A : i32
    %sign3A_2 = arith.extui %sign3A_1 : i1 to i32
    %sign3A_3 = arith.constant 0 : i32
    %sign3A_4 = arith.cmpi slt, %add3A, %sign3A_3 : i32
    %sign3A_5 = arith.extui %sign3A_4 : i1 to i32
    %sign3A_6 = arith.subi %sign3A_2, %sign3A_5 : i32
    %sign3A_7 = arith.constant 0 : i32
    %sign3A_8 = arith.cmpi sgt, %jit3A, %sign3A_7 : i32
    %sign3A_9 = arith.extui %sign3A_8 : i1 to i32
    %sign3A_10 = arith.constant 0 : i32
    %sign3A_11 = arith.cmpi slt, %jit3A, %sign3A_10 : i32
    %sign3A_12 = arith.extui %sign3A_11 : i1 to i32
    %sign3A_13 = arith.subi %sign3A_9, %sign3A_12 : i32
    %ne3A = arith.cmpi ne, %sign3A_6, %sign3A_13 : i32
    %rem3A = arith.remsi %add3A, %jit3A : i32
    %ne3A_14 = arith.constant 0 : i32
    %ne3A_15 = arith.cmpi ne, %rem3A, %ne3A_14 : i32
    %and3A = arith.andi %ne3A, %ne3A_15 : i1
    %sub3A = arith.constant 1 : i32
    %sub3A_16 = arith.subi %div3A, %sub3A : i32
    %select_n3A = arith.select %and3A, %sub3A_16, %div3A : i32
    %jit3A_17 = arith.constant 4 : i32
    %eq3A = arith.constant 0 : i32
    %eq3A_18 = arith.cmpi eq, %jit3A_17, %eq3A : i32
    %jit3A_19 = arith.constant 1 : i32
    %select_n3A_20 = arith.select %eq3A_18, %jit3A_19, %jit3A_17 : i32
    %rem3A_21 = arith.remsi %add3A, %select_n3A_20 : i32
    %ne3A_22 = arith.constant 0 : i32
    %ne3A_23 = arith.cmpi ne, %rem3A_21, %ne3A_22 : i32
    %lt3A = arith.constant 0 : i32
    %lt3A_24 = arith.cmpi slt, %rem3A_21, %lt3A : i32
    %lt3A_25 = arith.constant 0 : i32
    %lt3A_26 = arith.cmpi slt, %select_n3A_20, %lt3A_25 : i32
    %ne3A_27 = arith.xori %lt3A_24, %lt3A_26 : i1
    %and3A_28 = arith.andi %ne3A_27, %ne3A_23 : i1
    %add3A_29 = arith.addi %rem3A_21, %select_n3A_20 : i32
    %select_n3A_30 = arith.select %and3A_28, %add3A_29, %rem3A_21 : i32
    %mul3A_31 = arith.constant 64 : i32
    %mul3A_32 = arith.muli %select_n3A_30, %mul3A_31 : i32
    %iota3A = tpu.iota {dimensions = array<i32: 0>} : vector<16xi32>
    %add3A_33 = arith.constant 0 : i32
    %add3A_34 = arith.addi %mul3A_32, %add3A_33 : i32
    %dma_start3A = arith.constant 0 : i32
    %dma_start3A_35 = arith.constant 0 : i32
    %dma_start3A_36 = arith.constant 0 : i32
    %dma_start3A_37 = tpu.memref_slice %arg13[%dma_start3A_35, %dma_start3A_36] : memref<136x128xf32, #tpu.memory_space<vmem>> -> memref<128x128xf32, #tpu.memory_space<vmem>>
    %dma_start3A_38 = arith.constant 0 : i32
    %dma_start3A_39 = arith.constant 0 : i32
    %dma_start3A_40 = tpu.memref_slice %arg2[%select_n3A, %add3A_34, %dma_start3A_38, %dma_start3A_39] : memref<8x256x128x128xf32, #tpu.memory_space<hbm>> -> memref<1x1x128x128xf32, #tpu.memory_space<hbm>>
    %dma_start3A_41 = tpu.memref_squeeze %dma_start3A_40 : memref<1x1x128x128xf32, #tpu.memory_space<hbm>> -> memref<128x128xf32, #tpu.memory_space<hbm>>
    %dma_start3A_42 = tpu.memref_slice %arg17[%dma_start3A] : memref<4x!tpu.dma_semaphore, #tpu.memory_space<semaphore_mem>> -> memref<1x!tpu.dma_semaphore, #tpu.memory_space<semaphore_mem>>
    %dma_start3A_43 = tpu.memref_squeeze %dma_start3A_42 : memref<1x!tpu.dma_semaphore, #tpu.memory_space<semaphore_mem>> -> memref<!tpu.dma_semaphore, #tpu.memory_space<semaphore_mem>>
    %dma_start3A_44 = arith.constant 0 : i32
    %dma_start3A_45 = arith.constant 0 : i32
    %dma_start3A_46 = tpu.memref_slice %arg13[%dma_start3A_44, %dma_start3A_45] : memref<136x128xf32, #tpu.memory_space<vmem>> -> memref<128x128xf32, #tpu.memory_space<vmem>>
    %dma_start3A_47 = arith.constant 0 : i32
    %dma_start3A_48 = arith.constant 0 : i32
    %dma_start3A_49 = tpu.memref_slice %arg2[%select_n3A, %add3A_34, %dma_start3A_47, %dma_start3A_48] : memref<8x256x128x128xf32, #tpu.memory_space<hbm>> -> memref<1x1x128x128xf32, #tpu.memory_space<hbm>>
    %dma_start3A_50 = tpu.memref_squeeze %dma_start3A_49 : memref<1x1x128x128xf32, #tpu.memory_space<hbm>> -> memref<128x128xf32, #tpu.memory_space<hbm>>
    tpu.enqueue_dma source(%dma_start3A_50 : memref<128x128xf32, #tpu.memory_space<hbm>>) target(%dma_start3A_46 : memref<128x128xf32, #tpu.memory_space<vmem>>) target_semaphore(%dma_start3A_43 : memref<!tpu.dma_semaphore, #tpu.memory_space<semaphore_mem>>)
    %add3A_51 = arith.constant 0 : i32
    %add3A_52 = arith.addi %mul3A_32, %add3A_51 : i32
    %mul3A_53 = arith.constant 32 : i32
    %mul3A_54 = arith.muli %add3A_52, %mul3A_53 : i32
    %dma_start3A_55 = arith.constant 0 : i32
    %dma_start3A_56 = arith.constant 0 : i32
    %dma_start3A_57 = tpu.memref_slice %arg4[%select_n3A, %mul3A_54, %dma_start3A_56] : memref<8x8192x128xf32, #tpu.memory_space<hbm>> -> memref<1x32x128xf32, #tpu.memory_space<hbm>>
    %dma_start3A_58 = tpu.memref_squeeze %dma_start3A_57 : memref<1x32x128xf32, #tpu.memory_space<hbm>> -> memref<32x128xf32, #tpu.memory_space<hbm>>
    %dma_start3A_59 = tpu.memref_slice %arg17[%dma_start3A_55] : memref<4x!tpu.dma_semaphore, #tpu.memory_space<semaphore_mem>> -> memref<1x!tpu.dma_semaphore, #tpu.memory_space<semaphore_mem>>
    %dma_start3A_60 = tpu.memref_squeeze %dma_start3A_59 : memref<1x!tpu.dma_semaphore, #tpu.memory_space<semaphore_mem>> -> memref<!tpu.dma_semaphore, #tpu.memory_space<semaphore_mem>>
    %dma_start3A_61 = arith.constant 0 : i32
    %dma_start3A_62 = tpu.memref_slice %arg4[%select_n3A, %mul3A_54, %dma_start3A_61] : memref<8x8192x128xf32, #tpu.memory_space<hbm>> -> memref<1x32x128xf32, #tpu.memory_space<hbm>>
    %dma_start3A_63 = tpu.memref_squeeze %dma_start3A_62 : memref<1x32x128xf32, #tpu.memory_space<hbm>> -> memref<32x128xf32, #tpu.memory_space<hbm>>
    tpu.enqueue_dma source(%dma_start3A_63 : memref<32x128xf32, #tpu.memory_space<hbm>>) target(%arg9 : memref<32x128xf32, #tpu.memory_space<vmem>>) target_semaphore(%dma_start3A_60 : memref<!tpu.dma_semaphore, #tpu.memory_space<semaphore_mem>>)
    %add3A_64 = arith.constant 1 : i32
    %add3A_65 = arith.addi %mul3A_32, %add3A_64 : i32
    %dma_start3A_66 = arith.constant 1 : i32
    %dma_start3A_67 = arith.constant 0 : i32
    %dma_start3A_68 = arith.constant 0 : i32
    %dma_start3A_69 = tpu.memref_slice %arg14[%dma_start3A_67, %dma_start3A_68] : memref<136x128xf32, #tpu.memory_space<vmem>> -> memref<128x128xf32, #tpu.memory_space<vmem>>
    %dma_start3A_70 = arith.constant 0 : i32
    %dma_start3A_71 = arith.constant 0 : i32
    %dma_start3A_72 = tpu.memref_slice %arg2[%select_n3A, %add3A_65, %dma_start3A_70, %dma_start3A_71] : memref<8x256x128x128xf32, #tpu.memory_space<hbm>> -> memref<1x1x128x128xf32, #tpu.memory_space<hbm>>
    %dma_start3A_73 = tpu.memref_squeeze %dma_start3A_72 : memref<1x1x128x128xf32, #tpu.memory_space<hbm>> -> memref<128x128xf32, #tpu.memory_space<hbm>>
    %dma_start3A_74 = tpu.memref_slice %arg17[%dma_start3A_66] : memref<4x!tpu.dma_semaphore, #tpu.memory_space<semaphore_mem>> -> memref<1x!tpu.dma_semaphore, #tpu.memory_space<semaphore_mem>>
    %dma_start3A_75 = tpu.memref_squeeze %dma_start3A_74 : memref<1x!tpu.dma_semaphore, #tpu.memory_space<semaphore_mem>> -> memref<!tpu.dma_semaphore, #tpu.memory_space<semaphore_mem>>
    %dma_start3A_76 = arith.constant 0 : i32
    %dma_start3A_77 = arith.constant 0 : i32
    %dma_start3A_78 = tpu.memref_slice %arg14[%dma_start3A_76, %dma_start3A_77] : memref<136x128xf32, #tpu.memory_space<vmem>> -> memref<128x128xf32, #tpu.memory_space<vmem>>
    %dma_start3A_79 = arith.constant 0 : i32
    %dma_start3A_80 = arith.constant 0 : i32
    %dma_start3A_81 = tpu.memref_slice %arg2[%select_n3A, %add3A_65, %dma_start3A_79, %dma_start3A_80] : memref<8x256x128x128xf32, #tpu.memory_space<hbm>> -> memref<1x1x128x128xf32, #tpu.memory_space<hbm>>
    %dma_start3A_82 = tpu.memref_squeeze %dma_start3A_81 : memref<1x1x128x128xf32, #tpu.memory_space<hbm>> -> memref<128x128xf32, #tpu.memory_space<hbm>>
    tpu.enqueue_dma source(%dma_start3A_82 : memref<128x128xf32, #tpu.memory_space<hbm>>) target(%dma_start3A_78 : memref<128x128xf32, #tpu.memory_space<vmem>>) target_semaphore(%dma_start3A_75 : memref<!tpu.dma_semaphore, #tpu.memory_space<semaphore_mem>>)
    %add3A_83 = arith.constant 1 : i32
    %add3A_84 = arith.addi %mul3A_32, %add3A_83 : i32
    %mul3A_85 = arith.constant 32 : i32
    %mul3A_86 = arith.muli %add3A_84, %mul3A_85 : i32
    %dma_start3A_87 = arith.constant 1 : i32
    %dma_start3A_88 = arith.constant 0 : i32
    %dma_start3A_89 = tpu.memref_slice %arg4[%select_n3A, %mul3A_86, %dma_start3A_88] : memref<8x8192x128xf32, #tpu.memory_space<hbm>> -> memref<1x32x128xf32, #tpu.memory_space<hbm>>
    %dma_start3A_90 = tpu.memref_squeeze %dma_start3A_89 : memref<1x32x128xf32, #tpu.memory_space<hbm>> -> memref<32x128xf32, #tpu.memory_space<hbm>>
    %dma_start3A_91 = tpu.memref_slice %arg17[%dma_start3A_87] : memref<4x!tpu.dma_semaphore, #tpu.memory_space<semaphore_mem>> -> memref<1x!tpu.dma_semaphore, #tpu.memory_space<semaphore_mem>>
    %dma_start3A_92 = tpu.memref_squeeze %dma_start3A_91 : memref<1x!tpu.dma_semaphore, #tpu.memory_space<semaphore_mem>> -> memref<!tpu.dma_semaphore, #tpu.memory_space<semaphore_mem>>
    %dma_start3A_93 = arith.constant 0 : i32
    %dma_start3A_94 = tpu.memref_slice %arg4[%select_n3A, %mul3A_86, %dma_start3A_93] : memref<8x8192x128xf32, #tpu.memory_space<hbm>> -> memref<1x32x128xf32, #tpu.memory_space<hbm>>
    %dma_start3A_95 = tpu.memref_squeeze %dma_start3A_94 : memref<1x32x128xf32, #tpu.memory_space<hbm>> -> memref<32x128xf32, #tpu.memory_space<hbm>>
    tpu.enqueue_dma source(%dma_start3A_95 : memref<32x128xf32, #tpu.memory_space<hbm>>) target(%arg10 : memref<32x128xf32, #tpu.memory_space<vmem>>) target_semaphore(%dma_start3A_92 : memref<!tpu.dma_semaphore, #tpu.memory_space<semaphore_mem>>)
    %add3A_96 = arith.constant 2 : i32
    %add3A_97 = arith.addi %mul3A_32, %add3A_96 : i32
    %dma_start3A_98 = arith.constant 2 : i32
    %dma_start3A_99 = arith.constant 0 : i32
    %dma_start3A_100 = arith.constant 0 : i32
    %dma_start3A_101 = tpu.memref_slice %arg15[%dma_start3A_99, %dma_start3A_100] : memref<136x128xf32, #tpu.memory_space<vmem>> -> memref<128x128xf32, #tpu.memory_space<vmem>>
    %dma_start3A_102 = arith.constant 0 : i32
    %dma_start3A_103 = arith.constant 0 : i32
    %dma_start3A_104 = tpu.memref_slice %arg2[%select_n3A, %add3A_97, %dma_start3A_102, %dma_start3A_103] : memref<8x256x128x128xf32, #tpu.memory_space<hbm>> -> memref<1x1x128x128xf32, #tpu.memory_space<hbm>>
    %dma_start3A_105 = tpu.memref_squeeze %dma_start3A_104 : memref<1x1x128x128xf32, #tpu.memory_space<hbm>> -> memref<128x128xf32, #tpu.memory_space<hbm>>
    %dma_start3A_106 = tpu.memref_slice %arg17[%dma_start3A_98] : memref<4x!tpu.dma_semaphore, #tpu.memory_space<semaphore_mem>> -> memref<1x!tpu.dma_semaphore, #tpu.memory_space<semaphore_mem>>
    %dma_start3A_107 = tpu.memref_squeeze %dma_start3A_106 : memref<1x!tpu.dma_semaphore, #tpu.memory_space<semaphore_mem>> -> memref<!tpu.dma_semaphore, #tpu.memory_space<semaphore_mem>>
    %dma_start3A_108 = arith.constant 0 : i32
    %dma_start3A_109 = arith.constant 0 : i32
    %dma_start3A_110 = tpu.memref_slice %arg15[%dma_start3A_108, %dma_start3A_109] : memref<136x128xf32, #tpu.memory_space<vmem>> -> memref<128x128xf32, #tpu.memory_space<vmem>>
    %dma_start3A_111 = arith.constant 0 : i32
    %dma_start3A_112 = arith.constant 0 : i32
    %dma_start3A_113 = tpu.memref_slice %arg2[%select_n3A, %add3A_97, %dma_start3A_111, %dma_start3A_112] : memref<8x256x128x128xf32, #tpu.memory_space<hbm>> -> memref<1x1x128x128xf32, #tpu.memory_space<hbm>>
    %dma_start3A_114 = tpu.memref_squeeze %dma_start3A_113 : memref<1x1x128x128xf32, #tpu.memory_space<hbm>> -> memref<128x128xf32, #tpu.memory_space<hbm>>
    tpu.enqueue_dma source(%dma_start3A_114 : memref<128x128xf32, #tpu.memory_space<hbm>>) target(%dma_start3A_110 : memref<128x128xf32, #tpu.memory_space<vmem>>) target_semaphore(%dma_start3A_107 : memref<!tpu.dma_semaphore, #tpu.memory_space<semaphore_mem>>)
    %add3A_115 = arith.constant 2 : i32
    %add3A_116 = arith.addi %mul3A_32, %add3A_115 : i32
    %mul3A_117 = arith.constant 32 : i32
    %mul3A_118 = arith.muli %add3A_116, %mul3A_117 : i32
    %dma_start3A_119 = arith.constant 2 : i32
    %dma_start3A_120 = arith.constant 0 : i32
    %dma_start3A_121 = tpu.memref_slice %arg4[%select_n3A, %mul3A_118, %dma_start3A_120] : memref<8x8192x128xf32, #tpu.memory_space<hbm>> -> memref<1x32x128xf32, #tpu.memory_space<hbm>>
    %dma_start3A_122 = tpu.memref_squeeze %dma_start3A_121 : memref<1x32x128xf32, #tpu.memory_space<hbm>> -> memref<32x128xf32, #tpu.memory_space<hbm>>
    %dma_start3A_123 = tpu.memref_slice %arg17[%dma_start3A_119] : memref<4x!tpu.dma_semaphore, #tpu.memory_space<semaphore_mem>> -> memref<1x!tpu.dma_semaphore, #tpu.memory_space<semaphore_mem>>
    %dma_start3A_124 = tpu.memref_squeeze %dma_start3A_123 : memref<1x!tpu.dma_semaphore, #tpu.memory_space<semaphore_mem>> -> memref<!tpu.dma_semaphore, #tpu.memory_space<semaphore_mem>>
    %dma_start3A_125 = arith.constant 0 : i32
    %dma_start3A_126 = tpu.memref_slice %arg4[%select_n3A, %mul3A_118, %dma_start3A_125] : memref<8x8192x128xf32, #tpu.memory_space<hbm>> -> memref<1x32x128xf32, #tpu.memory_space<hbm>>
    %dma_start3A_127 = tpu.memref_squeeze %dma_start3A_126 : memref<1x32x128xf32, #tpu.memory_space<hbm>> -> memref<32x128xf32, #tpu.memory_space<hbm>>
    tpu.enqueue_dma source(%dma_start3A_127 : memref<32x128xf32, #tpu.memory_space<hbm>>) target(%arg11 : memref<32x128xf32, #tpu.memory_space<vmem>>) target_semaphore(%dma_start3A_124 : memref<!tpu.dma_semaphore, #tpu.memory_space<semaphore_mem>>)
    "tpu.region"() ({
      %run_scoped3A = tpu.sem_alloc : memref<!tpu.dma_semaphore, #tpu.memory_space<semaphore_mem>>
      %dma_start3A_208 = arith.constant 0 : i32
      %dma_start3A_209 = arith.constant 0 : i32
      %dma_start3A_210 = tpu.memref_slice %arg3[%select_n3A, %dma_start3A_208, %dma_start3A_209] : memref<8x32x128xi32, #tpu.memory_space<hbm>> -> memref<1x32x128xi32, #tpu.memory_space<hbm>>
      %dma_start3A_211 = tpu.memref_squeeze %dma_start3A_210 : memref<1x32x128xi32, #tpu.memory_space<hbm>> -> memref<32x128xi32, #tpu.memory_space<hbm>>
      %dma_start3A_212 = arith.constant 0 : i32
      %dma_start3A_213 = arith.constant 0 : i32
      %dma_start3A_214 = tpu.memref_slice %arg3[%select_n3A, %dma_start3A_212, %dma_start3A_213] : memref<8x32x128xi32, #tpu.memory_space<hbm>> -> memref<1x32x128xi32, #tpu.memory_space<hbm>>
      %dma_start3A_215 = tpu.memref_squeeze %dma_start3A_214 : memref<1x32x128xi32, #tpu.memory_space<hbm>> -> memref<32x128xi32, #tpu.memory_space<hbm>>
      tpu.enqueue_dma source(%dma_start3A_215 : memref<32x128xi32, #tpu.memory_space<hbm>>) target(%arg6 : memref<32x128xi32, #tpu.memory_space<vmem>>) target_semaphore(%run_scoped3A : memref<!tpu.dma_semaphore, #tpu.memory_space<semaphore_mem>>)
      %dma_wait3A_216 = arith.constant 0 : i32
      %dma_wait3A_217 = arith.constant 0 : i32
      %dma_wait3A_218 = tpu.memref_slice %arg3[%select_n3A, %dma_wait3A_216, %dma_wait3A_217] : memref<8x32x128xi32, #tpu.memory_space<hbm>> -> memref<1x32x128xi32, #tpu.memory_space<hbm>>
      %dma_wait3A_219 = tpu.memref_squeeze %dma_wait3A_218 : memref<1x32x128xi32, #tpu.memory_space<hbm>> -> memref<32x128xi32, #tpu.memory_space<hbm>>
      %dma_wait3A_220 = arith.constant 0 : i32
      %dma_wait3A_221 = arith.constant 0 : i32
      %dma_wait3A_222 = tpu.memref_slice %arg3[%select_n3A, %dma_wait3A_220, %dma_wait3A_221] : memref<8x32x128xi32, #tpu.memory_space<hbm>> -> memref<1x32x128xi32, #tpu.memory_space<hbm>>
      %dma_wait3A_223 = tpu.memref_squeeze %dma_wait3A_222 : memref<1x32x128xi32, #tpu.memory_space<hbm>> -> memref<32x128xi32, #tpu.memory_space<hbm>>
      tpu.wait_dma2 semaphore(%run_scoped3A : memref<!tpu.dma_semaphore, #tpu.memory_space<semaphore_mem>>) src(%dma_wait3A_223 : memref<32x128xi32, #tpu.memory_space<hbm>>) dst(%arg6 : memref<32x128xi32, #tpu.memory_space<vmem>>)
      tpu.yield
    }) : () -> ()
    %scan3A = arith.constant 0 : i32
    %scan3A_128 = arith.constant 0 : i32
    %scan3A_129 = arith.constant 256 : i32
    %scan3A_130 = arith.addi %scan3A_128, %scan3A_129 : i32
    %scan3A_131 = arith.constant 1 : i32
    %scan3A_132 = scf.for %scan3A_208 = %scan3A_128 to %scan3A_130 step %scan3A_131 iter_args(%scan3A_209 = %scan3A) -> (i32)  : i32 {
      %shift_right_arithmetic3A = arith.constant 3 : i32
      %shift_right_arithmetic3A_210 = arith.shrsi %scan3A_208, %shift_right_arithmetic3A : i32
      %and3A_211 = arith.constant 7 : i32
      %and3A_212 = arith.andi %scan3A_208, %and3A_211 : i32
      %mul3A_213 = arith.constant 16 : i32
      %mul3A_214 = arith.muli %and3A_212, %mul3A_213 : i32
      %get3A = arith.index_cast %shift_right_arithmetic3A_210 : i32 to index
      %get3A_215 = arith.index_cast %mul3A_214 : i32 to index
      %get3A_216 = tpu.vector_load %arg6[%get3A, %get3A_215] {strides = array<i32>} : memref<32x128xi32, #tpu.memory_space<vmem>>, vector<16xi32>,
      %mul3A_217 = arith.constant 16 : i32
      %mul3A_218 = arith.muli %scan3A_208, %mul3A_217 : i32
      %add3A_219 = vector.broadcast %mul3A_218 : i32 to vector<16xi32>
      %add3A_220 = arith.addi %add3A_219, %iota3A : vector<16xi32>
      %broadcast_in_dim3A = arith.constant true
      %broadcast_in_dim3A_221 = vector.broadcast %broadcast_in_dim3A : i1 to vector<16xi1>
      %unique3A, %unique3A_222 = tpu.scan_count mask(%broadcast_in_dim3A_221 : vector<16xi1>) value(%get3A_216 : vector<16xi32>) : vector<16xi1>, vector<16xi32>
      tpu.vector_store_idx %arg7[%get3A_216], %add3A_220 masked %unique3A : memref<16384xi32, #tpu.memory_space<vmem>>[vector<16xi32>], vector<16xi32>, vector<16xi1>
      %scan3A_223 = arith.constant 0 : i32
      scf.yield %scan3A_223 : i32
    }
    %scan3A_133 = arith.constant 256 : i32
    %parallel_loop3A = arith.constant 0 : i32
    %parallel_loop3A_134 = arith.constant 256 : i32
    %parallel_loop3A_135 = arith.constant 1 : i32
    scf.for %parallel_loop3A_208 = %parallel_loop3A to %parallel_loop3A_134 step %parallel_loop3A_135  : i32 {
      %parallel_loop3A_209 = arith.constant 3 : i32
      %parallel_loop3A_210 = arith.shrsi %parallel_loop3A_208, %parallel_loop3A_209 : i32
      %parallel_loop3A_211 = arith.constant 7 : i32
      %parallel_loop3A_212 = arith.andi %parallel_loop3A_208, %parallel_loop3A_211 : i32
      %parallel_loop3A_213 = arith.constant 16 : i32
      %parallel_loop3A_214 = arith.muli %parallel_loop3A_212, %parallel_loop3A_213 : i32
      %parallel_loop3A_215 = arith.index_cast %parallel_loop3A_210 : i32 to index
      %parallel_loop3A_216 = arith.index_cast %parallel_loop3A_214 : i32 to index
      %parallel_loop3A_217 = tpu.vector_load %arg6[%parallel_loop3A_215, %parallel_loop3A_216] {strides = array<i32>} : memref<32x128xi32, #tpu.memory_space<vmem>>, vector<16xi32>,
      %parallel_loop3A_218 = arith.constant 16 : i32
      %parallel_loop3A_219 = arith.muli %parallel_loop3A_208, %parallel_loop3A_218 : i32
      %parallel_loop3A_220 = vector.broadcast %parallel_loop3A_219 : i32 to vector<16xi32>
      %parallel_loop3A_221 = arith.addi %parallel_loop3A_220, %iota3A : vector<16xi32>
      %parallel_loop3A_222 = tpu.vector_load_idx %arg7[%parallel_loop3A_217] : memref<16384xi32, #tpu.memory_space<vmem>>[vector<16xi32>], vector<16xi32>,
      %parallel_loop3A_223 = arith.cmpi eq, %parallel_loop3A_222, %parallel_loop3A_221 : vector<16xi32>
      %parallel_loop3A_224 = arith.constant 127 : i32
      %parallel_loop3A_225 = vector.broadcast %parallel_loop3A_224 : i32 to vector<16xi32>
      %parallel_loop3A_226 = arith.andi %parallel_loop3A_217, %parallel_loop3A_225 : vector<16xi32>
      %parallel_loop3A_227 = arith.constant 16384 : i32
      %parallel_loop3A_228 = vector.broadcast %parallel_loop3A_227 : i32 to vector<16xi32>
      %parallel_loop3A_229 = arith.ori %parallel_loop3A_226, %parallel_loop3A_228 : vector<16xi32>
      %parallel_loop3A_230 = arith.select %parallel_loop3A_223, %parallel_loop3A_217, %parallel_loop3A_229 : vector<16xi1>, vector<16xi32>
      %parallel_loop3A_231 = arith.constant 16 : i32
      %parallel_loop3A_232 = arith.muli %parallel_loop3A_208, %parallel_loop3A_231 : i32
      %parallel_loop3A_233 = arith.index_cast %parallel_loop3A_232 : i32 to index
      %parallel_loop3A_234 = tpu.vector_load %arg8[%parallel_loop3A_233] {strides = array<i32>} : memref<4096xi32, #tpu.memory_space<vmem>>, vector<16xi32>,
      tpu.vector_store %arg8[%parallel_loop3A_233], %parallel_loop3A_230 {strides = array<i32>} : memref<4096xi32, #tpu.memory_space<vmem>>, vector<16xi32>,
    } {sc.loop_unroll_factor = 2 : i64, sc.parallel_access}
    %scan3A_136 = arith.constant 0 : i32
    %scan3A_137 = arith.constant 16 : i32
    %scan3A_138 = arith.addi %scan3A_136, %scan3A_137 : i32
    %scan3A_139 = arith.constant 1 : i32
    scf.for %scan3A_208 = %scan3A_136 to %scan3A_138 step %scan3A_139  : i32 {
      %mul3A_209 = arith.constant 1 : i32
      %mul3A_210 = arith.muli %scan3A_208, %mul3A_209 : i32
      %add3A_211 = arith.constant 0 : i32
      %add3A_212 = arith.addi %add3A_211, %mul3A_210 : i32
      %mul3A_213 = arith.constant 4 : i32
      %mul3A_214 = arith.muli %add3A_212, %mul3A_213 : i32
      %add3A_215 = arith.constant 0 : i32
      %add3A_216 = arith.addi %mul3A_214, %add3A_215 : i32
      %dma_wait3A_217 = arith.constant 0 : i32
      %dma_wait3A_218 = arith.constant 0 : i32
      %dma_wait3A_219 = arith.constant 0 : i32
      %dma_wait3A_220 = tpu.memref_slice %arg13[%dma_wait3A_218, %dma_wait3A_219] : memref<136x128xf32, #tpu.memory_space<vmem>> -> memref<128x128xf32, #tpu.memory_space<vmem>>
      %dma_wait3A_221 = arith.constant 0 : i32
      %dma_wait3A_222 = arith.constant 0 : i32
      %dma_wait3A_223 = tpu.memref_slice %arg2[%select_n3A, %mul3A_32, %dma_wait3A_221, %dma_wait3A_222] : memref<8x256x128x128xf32, #tpu.memory_space<hbm>> -> memref<1x1x128x128xf32, #tpu.memory_space<hbm>>
      %dma_wait3A_224 = tpu.memref_squeeze %dma_wait3A_223 : memref<1x1x128x128xf32, #tpu.memory_space<hbm>> -> memref<128x128xf32, #tpu.memory_space<hbm>>
      %dma_wait3A_225 = tpu.memref_slice %arg17[%dma_wait3A_217] : memref<4x!tpu.dma_semaphore, #tpu.memory_space<semaphore_mem>> -> memref<1x!tpu.dma_semaphore, #tpu.memory_space<semaphore_mem>>
      %dma_wait3A_226 = tpu.memref_squeeze %dma_wait3A_225 : memref<1x!tpu.dma_semaphore, #tpu.memory_space<semaphore_mem>> -> memref<!tpu.dma_semaphore, #tpu.memory_space<semaphore_mem>>
      %dma_wait3A_227 = arith.constant 0 : i32
      %dma_wait3A_228 = arith.constant 0 : i32
      %dma_wait3A_229 = tpu.memref_slice %arg13[%dma_wait3A_227, %dma_wait3A_228] : memref<136x128xf32, #tpu.memory_space<vmem>> -> memref<128x128xf32, #tpu.memory_space<vmem>>
      %dma_wait3A_230 = arith.constant 0 : i32
      %dma_wait3A_231 = arith.constant 0 : i32
      %dma_wait3A_232 = tpu.memref_slice %arg2[%select_n3A, %mul3A_32, %dma_wait3A_230, %dma_wait3A_231] : memref<8x256x128x128xf32, #tpu.memory_space<hbm>> -> memref<1x1x128x128xf32, #tpu.memory_space<hbm>>
      %dma_wait3A_233 = tpu.memref_squeeze %dma_wait3A_232 : memref<1x1x128x128xf32, #tpu.memory_space<hbm>> -> memref<128x128xf32, #tpu.memory_space<hbm>>
      tpu.wait_dma2 semaphore(%dma_wait3A_226 : memref<!tpu.dma_semaphore, #tpu.memory_space<semaphore_mem>>) src(%dma_wait3A_233 : memref<128x128xf32, #tpu.memory_space<hbm>>) dst(%dma_wait3A_229 : memref<128x128xf32, #tpu.memory_space<vmem>>)
      %dma_wait3A_234 = arith.constant 0 : i32
      %dma_wait3A_235 = arith.constant 0 : i32
      %dma_wait3A_236 = arith.constant 0 : i32
      %dma_wait3A_237 = tpu.memref_slice %arg4[%select_n3A, %dma_wait3A_235, %dma_wait3A_236] : memref<8x8192x128xf32, #tpu.memory_space<hbm>> -> memref<1x32x128xf32, #tpu.memory_space<hbm>>
      %dma_wait3A_238 = tpu.memref_squeeze %dma_wait3A_237 : memref<1x32x128xf32, #tpu.memory_space<hbm>> -> memref<32x128xf32, #tpu.memory_space<hbm>>
      %dma_wait3A_239 = tpu.memref_slice %arg17[%dma_wait3A_234] : memref<4x!tpu.dma_semaphore, #tpu.memory_space<semaphore_mem>> -> memref<1x!tpu.dma_semaphore, #tpu.memory_space<semaphore_mem>>
      %dma_wait3A_240 = tpu.memref_squeeze %dma_wait3A_239 : memref<1x!tpu.dma_semaphore, #tpu.memory_space<semaphore_mem>> -> memref<!tpu.dma_semaphore, #tpu.memory_space<semaphore_mem>>
      %dma_wait3A_241 = arith.constant 0 : i32
      %dma_wait3A_242 = arith.constant 0 : i32
      %dma_wait3A_243 = tpu.memref_slice %arg4[%select_n3A, %dma_wait3A_241, %dma_wait3A_242] : memref<8x8192x128xf32, #tpu.memory_space<hbm>> -> memref<1x32x128xf32, #tpu.memory_space<hbm>>
      %dma_wait3A_244 = tpu.memref_squeeze %dma_wait3A_243 : memref<1x32x128xf32, #tpu.memory_space<hbm>> -> memref<32x128xf32, #tpu.memory_space<hbm>>
      tpu.wait_dma2 semaphore(%dma_wait3A_240 : memref<!tpu.dma_semaphore, #tpu.memory_space<semaphore_mem>>) src(%dma_wait3A_244 : memref<32x128xf32, #tpu.memory_space<hbm>>) dst(%arg9 : memref<32x128xf32, #tpu.memory_space<vmem>>)
      %ge3A = arith.constant 1 : i32
      %ge3A_245 = arith.cmpi sge, %add3A_216, %ge3A : i32
      %add3A_246 = arith.constant 3 : i32
      %add3A_247 = arith.addi %add3A_216, %add3A_246 : i32
      %lt3A_248 = arith.constant 64 : i32
      %lt3A_249 = arith.cmpi slt, %add3A_247, %lt3A_248 : i32
      %and3A_250 = arith.andi %ge3A_245, %lt3A_249 : i1
      %convert_element_type3A = arith.extui %and3A_250 : i1 to i32
      %cond3A = arith.constant 0 : i32
      %cond3A_251 = arith.cmpi ne, %convert_element_type3A, %cond3A : i32
      scf.if %cond3A_251 {
        %dma_wait3A_490 = arith.constant 3 : i32
        %dma_wait3A_491 = arith.constant 0 : i32
        %dma_wait3A_492 = arith.constant 0 : i32
        %dma_wait3A_493 = tpu.memref_slice %arg16[%dma_wait3A_491, %dma_wait3A_492] : memref<136x128xf32, #tpu.memory_space<vmem>> -> memref<128x128xf32, #tpu.memory_space<vmem>>
        %dma_wait3A_494 = arith.constant 0 : i32
        %dma_wait3A_495 = arith.constant 0 : i32
        %dma_wait3A_496 = tpu.memref_slice %arg5[%select_n3A, %mul3A_32, %dma_wait3A_494, %dma_wait3A_495] : memref<8x256x128x128xf32, #tpu.memory_space<hbm>> -> memref<1x1x128x128xf32, #tpu.memory_space<hbm>>
        %dma_wait3A_497 = tpu.memref_squeeze %dma_wait3A_496 : memref<1x1x128x128xf32, #tpu.memory_space<hbm>> -> memref<128x128xf32, #tpu.memory_space<hbm>>
        %dma_wait3A_498 = tpu.memref_slice %arg18[%dma_wait3A_490] : memref<4x!tpu.dma_semaphore, #tpu.memory_space<semaphore_mem>> -> memref<1x!tpu.dma_semaphore, #tpu.memory_space<semaphore_mem>>
        %dma_wait3A_499 = tpu.memref_squeeze %dma_wait3A_498 : memref<1x!tpu.dma_semaphore, #tpu.memory_space<semaphore_mem>> -> memref<!tpu.dma_semaphore, #tpu.memory_space<semaphore_mem>>
        %dma_wait3A_500 = arith.constant 0 : i32
        %dma_wait3A_501 = arith.constant 0 : i32
        %dma_wait3A_502 = tpu.memref_slice %arg5[%select_n3A, %mul3A_32, %dma_wait3A_500, %dma_wait3A_501] : memref<8x256x128x128xf32, #tpu.memory_space<hbm>> -> memref<1x1x128x128xf32, #tpu.memory_space<hbm>>
        %dma_wait3A_503 = tpu.memref_squeeze %dma_wait3A_502 : memref<1x1x128x128xf32, #tpu.memory_space<hbm>> -> memref<128x128xf32, #tpu.memory_space<hbm>>
        %dma_wait3A_504 = arith.constant 0 : i32
        %dma_wait3A_505 = arith.constant 0 : i32
        %dma_wait3A_506 = tpu.memref_slice %arg16[%dma_wait3A_504, %dma_wait3A_505] : memref<136x128xf32, #tpu.memory_space<vmem>> -> memref<128x128xf32, #tpu.memory_space<vmem>>
        tpu.wait_dma2 semaphore(%dma_wait3A_499 : memref<!tpu.dma_semaphore, #tpu.memory_space<semaphore_mem>>) src(%dma_wait3A_506 : memref<128x128xf32, #tpu.memory_space<vmem>>) dst(%dma_wait3A_503 : memref<128x128xf32, #tpu.memory_space<hbm>>)
      } else {
      }
      %add3A_252 = arith.constant 3 : i32
      %add3A_253 = arith.addi %add3A_216, %add3A_252 : i32
      %lt3A_254 = arith.constant 64 : i32
      %lt3A_255 = arith.cmpi slt, %add3A_253, %lt3A_254 : i32
      %convert_element_type3A_256 = arith.extui %lt3A_255 : i1 to i32
      %cond3A_257 = arith.constant 0 : i32
      %cond3A_258 = arith.cmpi ne, %convert_element_type3A_256, %cond3A_257 : i32
      scf.if %cond3A_258 {
        %add3A_490 = arith.constant 3 : i32
        %add3A_491 = arith.addi %add3A_216, %add3A_490 : i32
        %add3A_492 = arith.addi %mul3A_32, %add3A_491 : i32
        %dma_start3A_493 = arith.constant 3 : i32
        %dma_start3A_494 = arith.constant 0 : i32
        %dma_start3A_495 = arith.constant 0 : i32
        %dma_start3A_496 = tpu.memref_slice %arg16[%dma_start3A_494, %dma_start3A_495] : memref<136x128xf32, #tpu.memory_space<vmem>> -> memref<128x128xf32, #tpu.memory_space<vmem>>
        %dma_start3A_497 = arith.constant 0 : i32
        %dma_start3A_498 = arith.constant 0 : i32
        %dma_start3A_499 = tpu.memref_slice %arg2[%select_n3A, %add3A_492, %dma_start3A_497, %dma_start3A_498] : memref<8x256x128x128xf32, #tpu.memory_space<hbm>> -> memref<1x1x128x128xf32, #tpu.memory_space<hbm>>
        %dma_start3A_500 = tpu.memref_squeeze %dma_start3A_499 : memref<1x1x128x128xf32, #tpu.memory_space<hbm>> -> memref<128x128xf32, #tpu.memory_space<hbm>>
        %dma_start3A_501 = tpu.memref_slice %arg17[%dma_start3A_493] : memref<4x!tpu.dma_semaphore, #tpu.memory_space<semaphore_mem>> -> memref<1x!tpu.dma_semaphore, #tpu.memory_space<semaphore_mem>>
        %dma_start3A_502 = tpu.memref_squeeze %dma_start3A_501 : memref<1x!tpu.dma_semaphore, #tpu.memory_space<semaphore_mem>> -> memref<!tpu.dma_semaphore, #tpu.memory_space<semaphore_mem>>
        %dma_start3A_503 = arith.constant 0 : i32
        %dma_start3A_504 = arith.constant 0 : i32
        %dma_start3A_505 = tpu.memref_slice %arg16[%dma_start3A_503, %dma_start3A_504] : memref<136x128xf32, #tpu.memory_space<vmem>> -> memref<128x128xf32, #tpu.memory_space<vmem>>
        %dma_start3A_506 = arith.constant 0 : i32
        %dma_start3A_507 = arith.constant 0 : i32
        %dma_start3A_508 = tpu.memref_slice %arg2[%select_n3A, %add3A_492, %dma_start3A_506, %dma_start3A_507] : memref<8x256x128x128xf32, #tpu.memory_space<hbm>> -> memref<1x1x128x128xf32, #tpu.memory_space<hbm>>
        %dma_start3A_509 = tpu.memref_squeeze %dma_start3A_508 : memref<1x1x128x128xf32, #tpu.memory_space<hbm>> -> memref<128x128xf32, #tpu.memory_space<hbm>>
        tpu.enqueue_dma source(%dma_start3A_509 : memref<128x128xf32, #tpu.memory_space<hbm>>) target(%dma_start3A_505 : memref<128x128xf32, #tpu.memory_space<vmem>>) target_semaphore(%dma_start3A_502 : memref<!tpu.dma_semaphore, #tpu.memory_space<semaphore_mem>>)
        %add3A_510 = arith.addi %mul3A_32, %add3A_491 : i32
        %mul3A_511 = arith.constant 32 : i32
        %mul3A_512 = arith.muli %add3A_510, %mul3A_511 : i32
        %dma_start3A_513 = arith.constant 3 : i32
        %dma_start3A_514 = arith.constant 0 : i32
        %dma_start3A_515 = tpu.memref_slice %arg4[%select_n3A, %mul3A_512, %dma_start3A_514] : memref<8x8192x128xf32, #tpu.memory_space<hbm>> -> memref<1x32x128xf32, #tpu.memory_space<hbm>>
        %dma_start3A_516 = tpu.memref_squeeze %dma_start3A_515 : memref<1x32x128xf32, #tpu.memory_space<hbm>> -> memref<32x128xf32, #tpu.memory_space<hbm>>
        %dma_start3A_517 = tpu.memref_slice %arg17[%dma_start3A_513] : memref<4x!tpu.dma_semaphore, #tpu.memory_space<semaphore_mem>> -> memref<1x!tpu.dma_semaphore, #tpu.memory_space<semaphore_mem>>
        %dma_start3A_518 = tpu.memref_squeeze %dma_start3A_517 : memref<1x!tpu.dma_semaphore, #tpu.memory_space<semaphore_mem>> -> memref<!tpu.dma_semaphore, #tpu.memory_space<semaphore_mem>>
        %dma_start3A_519 = arith.constant 0 : i32
        %dma_start3A_520 = tpu.memref_slice %arg4[%select_n3A, %mul3A_512, %dma_start3A_519] : memref<8x8192x128xf32, #tpu.memory_space<hbm>> -> memref<1x32x128xf32, #tpu.memory_space<hbm>>
        %dma_start3A_521 = tpu.memref_squeeze %dma_start3A_520 : memref<1x32x128xf32, #tpu.memory_space<hbm>> -> memref<32x128xf32, #tpu.memory_space<hbm>>
        tpu.enqueue_dma source(%dma_start3A_521 : memref<32x128xf32, #tpu.memory_space<hbm>>) target(%arg12 : memref<32x128xf32, #tpu.memory_space<vmem>>) target_semaphore(%dma_start3A_518 : memref<!tpu.dma_semaphore, #tpu.memory_space<semaphore_mem>>)
      } else {
      }
      %parallel_loop3A_259 = arith.constant 0 : i32
      %parallel_loop3A_260 = arith.constant 256 : i32
      %parallel_loop3A_261 = arith.constant 1 : i32
      scf.for %parallel_loop3A_490 = %parallel_loop3A_259 to %parallel_loop3A_260 step %parallel_loop3A_261  : i32 {
        %parallel_loop3A_491 = arith.constant 16 : i32
        %parallel_loop3A_492 = arith.muli %parallel_loop3A_490, %parallel_loop3A_491 : i32
        %parallel_loop3A_493 = arith.index_cast %parallel_loop3A_492 : i32 to index
        %parallel_loop3A_494 = tpu.vector_load %arg8[%parallel_loop3A_493] {strides = array<i32>} : memref<4096xi32, #tpu.memory_space<vmem>>, vector<16xi32>,
        %parallel_loop3A_495 = arith.constant 3 : i32
        %parallel_loop3A_496 = arith.shrsi %parallel_loop3A_490, %parallel_loop3A_495 : i32
        %parallel_loop3A_497 = arith.constant 7 : i32
        %parallel_loop3A_498 = arith.andi %parallel_loop3A_490, %parallel_loop3A_497 : i32
        %parallel_loop3A_499 = arith.constant 16 : i32
        %parallel_loop3A_500 = arith.muli %parallel_loop3A_498, %parallel_loop3A_499 : i32
        %parallel_loop3A_501 = arith.index_cast %parallel_loop3A_496 : i32 to index
        %parallel_loop3A_502 = arith.index_cast %parallel_loop3A_500 : i32 to index
        %parallel_loop3A_503 = tpu.vector_load %arg9[%parallel_loop3A_501, %parallel_loop3A_502] {strides = array<i32>} : memref<32x128xf32, #tpu.memory_space<vmem>>, vector<16xf32>,
        %parallel_loop3A_504 = arith.constant 7 : i32
        %parallel_loop3A_505 = vector.broadcast %parallel_loop3A_504 : i32 to vector<16xi32>
        %parallel_loop3A_506 = arith.shrsi %parallel_loop3A_494, %parallel_loop3A_505 : vector<16xi32>
        %parallel_loop3A_507 = arith.constant 127 : i32
        %parallel_loop3A_508 = vector.broadcast %parallel_loop3A_507 : i32 to vector<16xi32>
        %parallel_loop3A_509 = arith.andi %parallel_loop3A_494, %parallel_loop3A_508 : vector<16xi32>
        tpu.vector_store_idx %arg13[%parallel_loop3A_506, %parallel_loop3A_509], %parallel_loop3A_503 : memref<136x128xf32, #tpu.memory_space<vmem>>[vector<16xi32>, vector<16xi32>], vector<16xf32>,
      } {sc.loop_unroll_factor = 4 : i64, sc.parallel_access}
      %add3A_262 = arith.addi %mul3A_32, %add3A_216 : i32
      %dma_start3A_263 = arith.constant 0 : i32
      %dma_start3A_264 = arith.constant 0 : i32
      %dma_start3A_265 = arith.constant 0 : i32
      %dma_start3A_266 = tpu.memref_slice %arg13[%dma_start3A_264, %dma_start3A_265] : memref<136x128xf32, #tpu.memory_space<vmem>> -> memref<128x128xf32, #tpu.memory_space<vmem>>
      %dma_start3A_267 = arith.constant 0 : i32
      %dma_start3A_268 = arith.constant 0 : i32
      %dma_start3A_269 = tpu.memref_slice %arg5[%select_n3A, %add3A_262, %dma_start3A_267, %dma_start3A_268] : memref<8x256x128x128xf32, #tpu.memory_space<hbm>> -> memref<1x1x128x128xf32, #tpu.memory_space<hbm>>
      %dma_start3A_270 = tpu.memref_squeeze %dma_start3A_269 : memref<1x1x128x128xf32, #tpu.memory_space<hbm>> -> memref<128x128xf32, #tpu.memory_space<hbm>>
      %dma_start3A_271 = tpu.memref_slice %arg18[%dma_start3A_263] : memref<4x!tpu.dma_semaphore, #tpu.memory_space<semaphore_mem>> -> memref<1x!tpu.dma_semaphore, #tpu.memory_space<semaphore_mem>>
      %dma_start3A_272 = tpu.memref_squeeze %dma_start3A_271 : memref<1x!tpu.dma_semaphore, #tpu.memory_space<semaphore_mem>> -> memref<!tpu.dma_semaphore, #tpu.memory_space<semaphore_mem>>
      %dma_start3A_273 = arith.constant 0 : i32
      %dma_start3A_274 = arith.constant 0 : i32
      %dma_start3A_275 = tpu.memref_slice %arg5[%select_n3A, %add3A_262, %dma_start3A_273, %dma_start3A_274] : memref<8x256x128x128xf32, #tpu.memory_space<hbm>> -> memref<1x1x128x128xf32, #tpu.memory_space<hbm>>
      %dma_start3A_276 = tpu.memref_squeeze %dma_start3A_275 : memref<1x1x128x128xf32, #tpu.memory_space<hbm>> -> memref<128x128xf32, #tpu.memory_space<hbm>>
      %dma_start3A_277 = arith.constant 0 : i32
      %dma_start3A_278 = arith.constant 0 : i32
      %dma_start3A_279 = tpu.memref_slice %arg13[%dma_start3A_277, %dma_start3A_278] : memref<136x128xf32, #tpu.memory_space<vmem>> -> memref<128x128xf32, #tpu.memory_space<vmem>>
      tpu.enqueue_dma source(%dma_start3A_279 : memref<128x128xf32, #tpu.memory_space<vmem>>) target(%dma_start3A_276 : memref<128x128xf32, #tpu.memory_space<hbm>>) target_semaphore(%dma_start3A_272 : memref<!tpu.dma_semaphore, #tpu.memory_space<semaphore_mem>>)
      %mul3A_280 = arith.constant 4 : i32
      %mul3A_281 = arith.muli %add3A_212, %mul3A_280 : i32
      %add3A_282 = arith.constant 1 : i32
      %add3A_283 = arith.addi %mul3A_281, %add3A_282 : i32
      %dma_wait3A_284 = arith.constant 1 : i32
      %dma_wait3A_285 = arith.constant 0 : i32
      %dma_wait3A_286 = arith.constant 0 : i32
      %dma_wait3A_287 = tpu.memref_slice %arg14[%dma_wait3A_285, %dma_wait3A_286] : memref<136x128xf32, #tpu.memory_space<vmem>> -> memref<128x128xf32, #tpu.memory_space<vmem>>
      %dma_wait3A_288 = arith.constant 0 : i32
      %dma_wait3A_289 = arith.constant 0 : i32
      %dma_wait3A_290 = tpu.memref_slice %arg2[%select_n3A, %mul3A_32, %dma_wait3A_288, %dma_wait3A_289] : memref<8x256x128x128xf32, #tpu.memory_space<hbm>> -> memref<1x1x128x128xf32, #tpu.memory_space<hbm>>
      %dma_wait3A_291 = tpu.memref_squeeze %dma_wait3A_290 : memref<1x1x128x128xf32, #tpu.memory_space<hbm>> -> memref<128x128xf32, #tpu.memory_space<hbm>>
      %dma_wait3A_292 = tpu.memref_slice %arg17[%dma_wait3A_284] : memref<4x!tpu.dma_semaphore, #tpu.memory_space<semaphore_mem>> -> memref<1x!tpu.dma_semaphore, #tpu.memory_space<semaphore_mem>>
      %dma_wait3A_293 = tpu.memref_squeeze %dma_wait3A_292 : memref<1x!tpu.dma_semaphore, #tpu.memory_space<semaphore_mem>> -> memref<!tpu.dma_semaphore, #tpu.memory_space<semaphore_mem>>
      %dma_wait3A_294 = arith.constant 0 : i32
      %dma_wait3A_295 = arith.constant 0 : i32
      %dma_wait3A_296 = tpu.memref_slice %arg14[%dma_wait3A_294, %dma_wait3A_295] : memref<136x128xf32, #tpu.memory_space<vmem>> -> memref<128x128xf32, #tpu.memory_space<vmem>>
      %dma_wait3A_297 = arith.constant 0 : i32
      %dma_wait3A_298 = arith.constant 0 : i32
      %dma_wait3A_299 = tpu.memref_slice %arg2[%select_n3A, %mul3A_32, %dma_wait3A_297, %dma_wait3A_298] : memref<8x256x128x128xf32, #tpu.memory_space<hbm>> -> memref<1x1x128x128xf32, #tpu.memory_space<hbm>>
      %dma_wait3A_300 = tpu.memref_squeeze %dma_wait3A_299 : memref<1x1x128x128xf32, #tpu.memory_space<hbm>> -> memref<128x128xf32, #tpu.memory_space<hbm>>
      tpu.wait_dma2 semaphore(%dma_wait3A_293 : memref<!tpu.dma_semaphore, #tpu.memory_space<semaphore_mem>>) src(%dma_wait3A_300 : memref<128x128xf32, #tpu.memory_space<hbm>>) dst(%dma_wait3A_296 : memref<128x128xf32, #tpu.memory_space<vmem>>)
      %dma_wait3A_301 = arith.constant 1 : i32
      %dma_wait3A_302 = arith.constant 0 : i32
      %dma_wait3A_303 = arith.constant 0 : i32
      %dma_wait3A_304 = tpu.memref_slice %arg4[%select_n3A, %dma_wait3A_302, %dma_wait3A_303] : memref<8x8192x128xf32, #tpu.memory_space<hbm>> -> memref<1x32x128xf32, #tpu.memory_space<hbm>>
      %dma_wait3A_305 = tpu.memref_squeeze %dma_wait3A_304 : memref<1x32x128xf32, #tpu.memory_space<hbm>> -> memref<32x128xf32, #tpu.memory_space<hbm>>
      %dma_wait3A_306 = tpu.memref_slice %arg17[%dma_wait3A_301] : memref<4x!tpu.dma_semaphore, #tpu.memory_space<semaphore_mem>> -> memref<1x!tpu.dma_semaphore, #tpu.memory_space<semaphore_mem>>
      %dma_wait3A_307 = tpu.memref_squeeze %dma_wait3A_306 : memref<1x!tpu.dma_semaphore, #tpu.memory_space<semaphore_mem>> -> memref<!tpu.dma_semaphore, #tpu.memory_space<semaphore_mem>>
      %dma_wait3A_308 = arith.constant 0 : i32
      %dma_wait3A_309 = arith.constant 0 : i32
      %dma_wait3A_310 = tpu.memref_slice %arg4[%select_n3A, %dma_wait3A_308, %dma_wait3A_309] : memref<8x8192x128xf32, #tpu.memory_space<hbm>> -> memref<1x32x128xf32, #tpu.memory_space<hbm>>
      %dma_wait3A_311 = tpu.memref_squeeze %dma_wait3A_310 : memref<1x32x128xf32, #tpu.memory_space<hbm>> -> memref<32x128xf32, #tpu.memory_space<hbm>>
      tpu.wait_dma2 semaphore(%dma_wait3A_307 : memref<!tpu.dma_semaphore, #tpu.memory_space<semaphore_mem>>) src(%dma_wait3A_311 : memref<32x128xf32, #tpu.memory_space<hbm>>) dst(%arg10 : memref<32x128xf32, #tpu.memory_space<vmem>>)
      %ge3A_312 = arith.constant 1 : i32
      %ge3A_313 = arith.cmpi sge, %add3A_283, %ge3A_312 : i32
      %add3A_314 = arith.constant 3 : i32
      %add3A_315 = arith.addi %add3A_283, %add3A_314 : i32
      %lt3A_316 = arith.constant 64 : i32
      %lt3A_317 = arith.cmpi slt, %add3A_315, %lt3A_316 : i32
      %and3A_318 = arith.andi %ge3A_313, %lt3A_317 : i1
      %convert_element_type3A_319 = arith.extui %and3A_318 : i1 to i32
      %cond3A_320 = arith.constant 0 : i32
      %cond3A_321 = arith.cmpi ne, %convert_element_type3A_319, %cond3A_320 : i32
      scf.if %cond3A_321 {
        %dma_wait3A_490 = arith.constant 0 : i32
        %dma_wait3A_491 = arith.constant 0 : i32
        %dma_wait3A_492 = arith.constant 0 : i32
        %dma_wait3A_493 = tpu.memref_slice %arg13[%dma_wait3A_491, %dma_wait3A_492] : memref<136x128xf32, #tpu.memory_space<vmem>> -> memref<128x128xf32, #tpu.memory_space<vmem>>
        %dma_wait3A_494 = arith.constant 0 : i32
        %dma_wait3A_495 = arith.constant 0 : i32
        %dma_wait3A_496 = tpu.memref_slice %arg5[%select_n3A, %mul3A_32, %dma_wait3A_494, %dma_wait3A_495] : memref<8x256x128x128xf32, #tpu.memory_space<hbm>> -> memref<1x1x128x128xf32, #tpu.memory_space<hbm>>
        %dma_wait3A_497 = tpu.memref_squeeze %dma_wait3A_496 : memref<1x1x128x128xf32, #tpu.memory_space<hbm>> -> memref<128x128xf32, #tpu.memory_space<hbm>>
        %dma_wait3A_498 = tpu.memref_slice %arg18[%dma_wait3A_490] : memref<4x!tpu.dma_semaphore, #tpu.memory_space<semaphore_mem>> -> memref<1x!tpu.dma_semaphore, #tpu.memory_space<semaphore_mem>>
        %dma_wait3A_499 = tpu.memref_squeeze %dma_wait3A_498 : memref<1x!tpu.dma_semaphore, #tpu.memory_space<semaphore_mem>> -> memref<!tpu.dma_semaphore, #tpu.memory_space<semaphore_mem>>
        %dma_wait3A_500 = arith.constant 0 : i32
        %dma_wait3A_501 = arith.constant 0 : i32
        %dma_wait3A_502 = tpu.memref_slice %arg5[%select_n3A, %mul3A_32, %dma_wait3A_500, %dma_wait3A_501] : memref<8x256x128x128xf32, #tpu.memory_space<hbm>> -> memref<1x1x128x128xf32, #tpu.memory_space<hbm>>
        %dma_wait3A_503 = tpu.memref_squeeze %dma_wait3A_502 : memref<1x1x128x128xf32, #tpu.memory_space<hbm>> -> memref<128x128xf32, #tpu.memory_space<hbm>>
        %dma_wait3A_504 = arith.constant 0 : i32
        %dma_wait3A_505 = arith.constant 0 : i32
        %dma_wait3A_506 = tpu.memref_slice %arg13[%dma_wait3A_504, %dma_wait3A_505] : memref<136x128xf32, #tpu.memory_space<vmem>> -> memref<128x128xf32, #tpu.memory_space<vmem>>
        tpu.wait_dma2 semaphore(%dma_wait3A_499 : memref<!tpu.dma_semaphore, #tpu.memory_space<semaphore_mem>>) src(%dma_wait3A_506 : memref<128x128xf32, #tpu.memory_space<vmem>>) dst(%dma_wait3A_503 : memref<128x128xf32, #tpu.memory_space<hbm>>)
      } else {
      }
      %add3A_322 = arith.constant 3 : i32
      %add3A_323 = arith.addi %add3A_283, %add3A_322 : i32
      %lt3A_324 = arith.constant 64 : i32
      %lt3A_325 = arith.cmpi slt, %add3A_323, %lt3A_324 : i32
      %convert_element_type3A_326 = arith.extui %lt3A_325 : i1 to i32
      %cond3A_327 = arith.constant 0 : i32
      %cond3A_328 = arith.cmpi ne, %convert_element_type3A_326, %cond3A_327 : i32
      scf.if %cond3A_328 {
        %add3A_490 = arith.constant 3 : i32
        %add3A_491 = arith.addi %add3A_283, %add3A_490 : i32
        %add3A_492 = arith.addi %mul3A_32, %add3A_491 : i32
        %dma_start3A_493 = arith.constant 0 : i32
        %dma_start3A_494 = arith.constant 0 : i32
        %dma_start3A_495 = arith.constant 0 : i32
        %dma_start3A_496 = tpu.memref_slice %arg13[%dma_start3A_494, %dma_start3A_495] : memref<136x128xf32, #tpu.memory_space<vmem>> -> memref<128x128xf32, #tpu.memory_space<vmem>>
        %dma_start3A_497 = arith.constant 0 : i32
        %dma_start3A_498 = arith.constant 0 : i32
        %dma_start3A_499 = tpu.memref_slice %arg2[%select_n3A, %add3A_492, %dma_start3A_497, %dma_start3A_498] : memref<8x256x128x128xf32, #tpu.memory_space<hbm>> -> memref<1x1x128x128xf32, #tpu.memory_space<hbm>>
        %dma_start3A_500 = tpu.memref_squeeze %dma_start3A_499 : memref<1x1x128x128xf32, #tpu.memory_space<hbm>> -> memref<128x128xf32, #tpu.memory_space<hbm>>
        %dma_start3A_501 = tpu.memref_slice %arg17[%dma_start3A_493] : memref<4x!tpu.dma_semaphore, #tpu.memory_space<semaphore_mem>> -> memref<1x!tpu.dma_semaphore, #tpu.memory_space<semaphore_mem>>
        %dma_start3A_502 = tpu.memref_squeeze %dma_start3A_501 : memref<1x!tpu.dma_semaphore, #tpu.memory_space<semaphore_mem>> -> memref<!tpu.dma_semaphore, #tpu.memory_space<semaphore_mem>>
        %dma_start3A_503 = arith.constant 0 : i32
        %dma_start3A_504 = arith.constant 0 : i32
        %dma_start3A_505 = tpu.memref_slice %arg13[%dma_start3A_503, %dma_start3A_504] : memref<136x128xf32, #tpu.memory_space<vmem>> -> memref<128x128xf32, #tpu.memory_space<vmem>>
        %dma_start3A_506 = arith.constant 0 : i32
        %dma_start3A_507 = arith.constant 0 : i32
        %dma_start3A_508 = tpu.memref_slice %arg2[%select_n3A, %add3A_492, %dma_start3A_506, %dma_start3A_507] : memref<8x256x128x128xf32, #tpu.memory_space<hbm>> -> memref<1x1x128x128xf32, #tpu.memory_space<hbm>>
        %dma_start3A_509 = tpu.memref_squeeze %dma_start3A_508 : memref<1x1x128x128xf32, #tpu.memory_space<hbm>> -> memref<128x128xf32, #tpu.memory_space<hbm>>
        tpu.enqueue_dma source(%dma_start3A_509 : memref<128x128xf32, #tpu.memory_space<hbm>>) target(%dma_start3A_505 : memref<128x128xf32, #tpu.memory_space<vmem>>) target_semaphore(%dma_start3A_502 : memref<!tpu.dma_semaphore, #tpu.memory_space<semaphore_mem>>)
        %add3A_510 = arith.addi %mul3A_32, %add3A_491 : i32
        %mul3A_511 = arith.constant 32 : i32
        %mul3A_512 = arith.muli %add3A_510, %mul3A_511 : i32
        %dma_start3A_513 = arith.constant 0 : i32
        %dma_start3A_514 = arith.constant 0 : i32
        %dma_start3A_515 = tpu.memref_slice %arg4[%select_n3A, %mul3A_512, %dma_start3A_514] : memref<8x8192x128xf32, #tpu.memory_space<hbm>> -> memref<1x32x128xf32, #tpu.memory_space<hbm>>
        %dma_start3A_516 = tpu.memref_squeeze %dma_start3A_515 : memref<1x32x128xf32, #tpu.memory_space<hbm>> -> memref<32x128xf32, #tpu.memory_space<hbm>>
        %dma_start3A_517 = tpu.memref_slice %arg17[%dma_start3A_513] : memref<4x!tpu.dma_semaphore, #tpu.memory_space<semaphore_mem>> -> memref<1x!tpu.dma_semaphore, #tpu.memory_space<semaphore_mem>>
        %dma_start3A_518 = tpu.memref_squeeze %dma_start3A_517 : memref<1x!tpu.dma_semaphore, #tpu.memory_space<semaphore_mem>> -> memref<!tpu.dma_semaphore, #tpu.memory_space<semaphore_mem>>
        %dma_start3A_519 = arith.constant 0 : i32
        %dma_start3A_520 = tpu.memref_slice %arg4[%select_n3A, %mul3A_512, %dma_start3A_519] : memref<8x8192x128xf32, #tpu.memory_space<hbm>> -> memref<1x32x128xf32, #tpu.memory_space<hbm>>
        %dma_start3A_521 = tpu.memref_squeeze %dma_start3A_520 : memref<1x32x128xf32, #tpu.memory_space<hbm>> -> memref<32x128xf32, #tpu.memory_space<hbm>>
        tpu.enqueue_dma source(%dma_start3A_521 : memref<32x128xf32, #tpu.memory_space<hbm>>) target(%arg9 : memref<32x128xf32, #tpu.memory_space<vmem>>) target_semaphore(%dma_start3A_518 : memref<!tpu.dma_semaphore, #tpu.memory_space<semaphore_mem>>)
      } else {
      }
      %parallel_loop3A_329 = arith.constant 0 : i32
      %parallel_loop3A_330 = arith.constant 256 : i32
      %parallel_loop3A_331 = arith.constant 1 : i32
      scf.for %parallel_loop3A_490 = %parallel_loop3A_329 to %parallel_loop3A_330 step %parallel_loop3A_331  : i32 {
        %parallel_loop3A_491 = arith.constant 16 : i32
        %parallel_loop3A_492 = arith.muli %parallel_loop3A_490, %parallel_loop3A_491 : i32
        %parallel_loop3A_493 = arith.index_cast %parallel_loop3A_492 : i32 to index
        %parallel_loop3A_494 = tpu.vector_load %arg8[%parallel_loop3A_493] {strides = array<i32>} : memref<4096xi32, #tpu.memory_space<vmem>>, vector<16xi32>,
        %parallel_loop3A_495 = arith.constant 3 : i32
        %parallel_loop3A_496 = arith.shrsi %parallel_loop3A_490, %parallel_loop3A_495 : i32
        %parallel_loop3A_497 = arith.constant 7 : i32
        %parallel_loop3A_498 = arith.andi %parallel_loop3A_490, %parallel_loop3A_497 : i32
        %parallel_loop3A_499 = arith.constant 16 : i32
        %parallel_loop3A_500 = arith.muli %parallel_loop3A_498, %parallel_loop3A_499 : i32
        %parallel_loop3A_501 = arith.index_cast %parallel_loop3A_496 : i32 to index
        %parallel_loop3A_502 = arith.index_cast %parallel_loop3A_500 : i32 to index
        %parallel_loop3A_503 = tpu.vector_load %arg10[%parallel_loop3A_501, %parallel_loop3A_502] {strides = array<i32>} : memref<32x128xf32, #tpu.memory_space<vmem>>, vector<16xf32>,
        %parallel_loop3A_504 = arith.constant 7 : i32
        %parallel_loop3A_505 = vector.broadcast %parallel_loop3A_504 : i32 to vector<16xi32>
        %parallel_loop3A_506 = arith.shrsi %parallel_loop3A_494, %parallel_loop3A_505 : vector<16xi32>
        %parallel_loop3A_507 = arith.constant 127 : i32
        %parallel_loop3A_508 = vector.broadcast %parallel_loop3A_507 : i32 to vector<16xi32>
        %parallel_loop3A_509 = arith.andi %parallel_loop3A_494, %parallel_loop3A_508 : vector<16xi32>
        tpu.vector_store_idx %arg14[%parallel_loop3A_506, %parallel_loop3A_509], %parallel_loop3A_503 : memref<136x128xf32, #tpu.memory_space<vmem>>[vector<16xi32>, vector<16xi32>], vector<16xf32>,
      } {sc.loop_unroll_factor = 4 : i64, sc.parallel_access}
      %add3A_332 = arith.addi %mul3A_32, %add3A_283 : i32
      %dma_start3A_333 = arith.constant 1 : i32
      %dma_start3A_334 = arith.constant 0 : i32
      %dma_start3A_335 = arith.constant 0 : i32
      %dma_start3A_336 = tpu.memref_slice %arg14[%dma_start3A_334, %dma_start3A_335] : memref<136x128xf32, #tpu.memory_space<vmem>> -> memref<128x128xf32, #tpu.memory_space<vmem>>
      %dma_start3A_337 = arith.constant 0 : i32
      %dma_start3A_338 = arith.constant 0 : i32
      %dma_start3A_339 = tpu.memref_slice %arg5[%select_n3A, %add3A_332, %dma_start3A_337, %dma_start3A_338] : memref<8x256x128x128xf32, #tpu.memory_space<hbm>> -> memref<1x1x128x128xf32, #tpu.memory_space<hbm>>
      %dma_start3A_340 = tpu.memref_squeeze %dma_start3A_339 : memref<1x1x128x128xf32, #tpu.memory_space<hbm>> -> memref<128x128xf32, #tpu.memory_space<hbm>>
      %dma_start3A_341 = tpu.memref_slice %arg18[%dma_start3A_333] : memref<4x!tpu.dma_semaphore, #tpu.memory_space<semaphore_mem>> -> memref<1x!tpu.dma_semaphore, #tpu.memory_space<semaphore_mem>>
      %dma_start3A_342 = tpu.memref_squeeze %dma_start3A_341 : memref<1x!tpu.dma_semaphore, #tpu.memory_space<semaphore_mem>> -> memref<!tpu.dma_semaphore, #tpu.memory_space<semaphore_mem>>
      %dma_start3A_343 = arith.constant 0 : i32
      %dma_start3A_344 = arith.constant 0 : i32
      %dma_start3A_345 = tpu.memref_slice %arg5[%select_n3A, %add3A_332, %dma_start3A_343, %dma_start3A_344] : memref<8x256x128x128xf32, #tpu.memory_space<hbm>> -> memref<1x1x128x128xf32, #tpu.memory_space<hbm>>
      %dma_start3A_346 = tpu.memref_squeeze %dma_start3A_345 : memref<1x1x128x128xf32, #tpu.memory_space<hbm>> -> memref<128x128xf32, #tpu.memory_space<hbm>>
      %dma_start3A_347 = arith.constant 0 : i32
      %dma_start3A_348 = arith.constant 0 : i32
      %dma_start3A_349 = tpu.memref_slice %arg14[%dma_start3A_347, %dma_start3A_348] : memref<136x128xf32, #tpu.memory_space<vmem>> -> memref<128x128xf32, #tpu.memory_space<vmem>>
      tpu.enqueue_dma source(%dma_start3A_349 : memref<128x128xf32, #tpu.memory_space<vmem>>) target(%dma_start3A_346 : memref<128x128xf32, #tpu.memory_space<hbm>>) target_semaphore(%dma_start3A_342 : memref<!tpu.dma_semaphore, #tpu.memory_space<semaphore_mem>>)
      %mul3A_350 = arith.constant 4 : i32
      %mul3A_351 = arith.muli %add3A_212, %mul3A_350 : i32
      %add3A_352 = arith.constant 2 : i32
      %add3A_353 = arith.addi %mul3A_351, %add3A_352 : i32
      %dma_wait3A_354 = arith.constant 2 : i32
      %dma_wait3A_355 = arith.constant 0 : i32
      %dma_wait3A_356 = arith.constant 0 : i32
      %dma_wait3A_357 = tpu.memref_slice %arg15[%dma_wait3A_355, %dma_wait3A_356] : memref<136x128xf32, #tpu.memory_space<vmem>> -> memref<128x128xf32, #tpu.memory_space<vmem>>
      %dma_wait3A_358 = arith.constant 0 : i32
      %dma_wait3A_359 = arith.constant 0 : i32
      %dma_wait3A_360 = tpu.memref_slice %arg2[%select_n3A, %mul3A_32, %dma_wait3A_358, %dma_wait3A_359] : memref<8x256x128x128xf32, #tpu.memory_space<hbm>> -> memref<1x1x128x128xf32, #tpu.memory_space<hbm>>
      %dma_wait3A_361 = tpu.memref_squeeze %dma_wait3A_360 : memref<1x1x128x128xf32, #tpu.memory_space<hbm>> -> memref<128x128xf32, #tpu.memory_space<hbm>>
      %dma_wait3A_362 = tpu.memref_slice %arg17[%dma_wait3A_354] : memref<4x!tpu.dma_semaphore, #tpu.memory_space<semaphore_mem>> -> memref<1x!tpu.dma_semaphore, #tpu.memory_space<semaphore_mem>>
      %dma_wait3A_363 = tpu.memref_squeeze %dma_wait3A_362 : memref<1x!tpu.dma_semaphore, #tpu.memory_space<semaphore_mem>> -> memref<!tpu.dma_semaphore, #tpu.memory_space<semaphore_mem>>
      %dma_wait3A_364 = arith.constant 0 : i32
      %dma_wait3A_365 = arith.constant 0 : i32
      %dma_wait3A_366 = tpu.memref_slice %arg15[%dma_wait3A_364, %dma_wait3A_365] : memref<136x128xf32, #tpu.memory_space<vmem>> -> memref<128x128xf32, #tpu.memory_space<vmem>>
      %dma_wait3A_367 = arith.constant 0 : i32
      %dma_wait3A_368 = arith.constant 0 : i32
      %dma_wait3A_369 = tpu.memref_slice %arg2[%select_n3A, %mul3A_32, %dma_wait3A_367, %dma_wait3A_368] : memref<8x256x128x128xf32, #tpu.memory_space<hbm>> -> memref<1x1x128x128xf32, #tpu.memory_space<hbm>>
      %dma_wait3A_370 = tpu.memref_squeeze %dma_wait3A_369 : memref<1x1x128x128xf32, #tpu.memory_space<hbm>> -> memref<128x128xf32, #tpu.memory_space<hbm>>
      tpu.wait_dma2 semaphore(%dma_wait3A_363 : memref<!tpu.dma_semaphore, #tpu.memory_space<semaphore_mem>>) src(%dma_wait3A_370 : memref<128x128xf32, #tpu.memory_space<hbm>>) dst(%dma_wait3A_366 : memref<128x128xf32, #tpu.memory_space<vmem>>)
      %dma_wait3A_371 = arith.constant 2 : i32
      %dma_wait3A_372 = arith.constant 0 : i32
      %dma_wait3A_373 = arith.constant 0 : i32
      %dma_wait3A_374 = tpu.memref_slice %arg4[%select_n3A, %dma_wait3A_372, %dma_wait3A_373] : memref<8x8192x128xf32, #tpu.memory_space<hbm>> -> memref<1x32x128xf32, #tpu.memory_space<hbm>>
      %dma_wait3A_375 = tpu.memref_squeeze %dma_wait3A_374 : memref<1x32x128xf32, #tpu.memory_space<hbm>> -> memref<32x128xf32, #tpu.memory_space<hbm>>
      %dma_wait3A_376 = tpu.memref_slice %arg17[%dma_wait3A_371] : memref<4x!tpu.dma_semaphore, #tpu.memory_space<semaphore_mem>> -> memref<1x!tpu.dma_semaphore, #tpu.memory_space<semaphore_mem>>
      %dma_wait3A_377 = tpu.memref_squeeze %dma_wait3A_376 : memref<1x!tpu.dma_semaphore, #tpu.memory_space<semaphore_mem>> -> memref<!tpu.dma_semaphore, #tpu.memory_space<semaphore_mem>>
      %dma_wait3A_378 = arith.constant 0 : i32
      %dma_wait3A_379 = arith.constant 0 : i32
      %dma_wait3A_380 = tpu.memref_slice %arg4[%select_n3A, %dma_wait3A_378, %dma_wait3A_379] : memref<8x8192x128xf32, #tpu.memory_space<hbm>> -> memref<1x32x128xf32, #tpu.memory_space<hbm>>
      %dma_wait3A_381 = tpu.memref_squeeze %dma_wait3A_380 : memref<1x32x128xf32, #tpu.memory_space<hbm>> -> memref<32x128xf32, #tpu.memory_space<hbm>>
      tpu.wait_dma2 semaphore(%dma_wait3A_377 : memref<!tpu.dma_semaphore, #tpu.memory_space<semaphore_mem>>) src(%dma_wait3A_381 : memref<32x128xf32, #tpu.memory_space<hbm>>) dst(%arg11 : memref<32x128xf32, #tpu.memory_space<vmem>>)
      %ge3A_382 = arith.constant 1 : i32
      %ge3A_383 = arith.cmpi sge, %add3A_353, %ge3A_382 : i32
      %add3A_384 = arith.constant 3 : i32
      %add3A_385 = arith.addi %add3A_353, %add3A_384 : i32
      %lt3A_386 = arith.constant 64 : i32
      %lt3A_387 = arith.cmpi slt, %add3A_385, %lt3A_386 : i32
      %and3A_388 = arith.andi %ge3A_383, %lt3A_387 : i1
      %convert_element_type3A_389 = arith.extui %and3A_388 : i1 to i32
      %cond3A_390 = arith.constant 0 : i32
      %cond3A_391 = arith.cmpi ne, %convert_element_type3A_389, %cond3A_390 : i32
      scf.if %cond3A_391 {
        %dma_wait3A_490 = arith.constant 1 : i32
        %dma_wait3A_491 = arith.constant 0 : i32
        %dma_wait3A_492 = arith.constant 0 : i32
        %dma_wait3A_493 = tpu.memref_slice %arg14[%dma_wait3A_491, %dma_wait3A_492] : memref<136x128xf32, #tpu.memory_space<vmem>> -> memref<128x128xf32, #tpu.memory_space<vmem>>
        %dma_wait3A_494 = arith.constant 0 : i32
        %dma_wait3A_495 = arith.constant 0 : i32
        %dma_wait3A_496 = tpu.memref_slice %arg5[%select_n3A, %mul3A_32, %dma_wait3A_494, %dma_wait3A_495] : memref<8x256x128x128xf32, #tpu.memory_space<hbm>> -> memref<1x1x128x128xf32, #tpu.memory_space<hbm>>
        %dma_wait3A_497 = tpu.memref_squeeze %dma_wait3A_496 : memref<1x1x128x128xf32, #tpu.memory_space<hbm>> -> memref<128x128xf32, #tpu.memory_space<hbm>>
        %dma_wait3A_498 = tpu.memref_slice %arg18[%dma_wait3A_490] : memref<4x!tpu.dma_semaphore, #tpu.memory_space<semaphore_mem>> -> memref<1x!tpu.dma_semaphore, #tpu.memory_space<semaphore_mem>>
        %dma_wait3A_499 = tpu.memref_squeeze %dma_wait3A_498 : memref<1x!tpu.dma_semaphore, #tpu.memory_space<semaphore_mem>> -> memref<!tpu.dma_semaphore, #tpu.memory_space<semaphore_mem>>
        %dma_wait3A_500 = arith.constant 0 : i32
        %dma_wait3A_501 = arith.constant 0 : i32
        %dma_wait3A_502 = tpu.memref_slice %arg5[%select_n3A, %mul3A_32, %dma_wait3A_500, %dma_wait3A_501] : memref<8x256x128x128xf32, #tpu.memory_space<hbm>> -> memref<1x1x128x128xf32, #tpu.memory_space<hbm>>
        %dma_wait3A_503 = tpu.memref_squeeze %dma_wait3A_502 : memref<1x1x128x128xf32, #tpu.memory_space<hbm>> -> memref<128x128xf32, #tpu.memory_space<hbm>>
        %dma_wait3A_504 = arith.constant 0 : i32
        %dma_wait3A_505 = arith.constant 0 : i32
        %dma_wait3A_506 = tpu.memref_slice %arg14[%dma_wait3A_504, %dma_wait3A_505] : memref<136x128xf32, #tpu.memory_space<vmem>> -> memref<128x128xf32, #tpu.memory_space<vmem>>
        tpu.wait_dma2 semaphore(%dma_wait3A_499 : memref<!tpu.dma_semaphore, #tpu.memory_space<semaphore_mem>>) src(%dma_wait3A_506 : memref<128x128xf32, #tpu.memory_space<vmem>>) dst(%dma_wait3A_503 : memref<128x128xf32, #tpu.memory_space<hbm>>)
      } else {
      }
      %add3A_392 = arith.constant 3 : i32
      %add3A_393 = arith.addi %add3A_353, %add3A_392 : i32
      %lt3A_394 = arith.constant 64 : i32
      %lt3A_395 = arith.cmpi slt, %add3A_393, %lt3A_394 : i32
      %convert_element_type3A_396 = arith.extui %lt3A_395 : i1 to i32
      %cond3A_397 = arith.constant 0 : i32
      %cond3A_398 = arith.cmpi ne, %convert_element_type3A_396, %cond3A_397 : i32
      scf.if %cond3A_398 {
        %add3A_490 = arith.constant 3 : i32
        %add3A_491 = arith.addi %add3A_353, %add3A_490 : i32
        %add3A_492 = arith.addi %mul3A_32, %add3A_491 : i32
        %dma_start3A_493 = arith.constant 1 : i32
        %dma_start3A_494 = arith.constant 0 : i32
        %dma_start3A_495 = arith.constant 0 : i32
        %dma_start3A_496 = tpu.memref_slice %arg14[%dma_start3A_494, %dma_start3A_495] : memref<136x128xf32, #tpu.memory_space<vmem>> -> memref<128x128xf32, #tpu.memory_space<vmem>>
        %dma_start3A_497 = arith.constant 0 : i32
        %dma_start3A_498 = arith.constant 0 : i32
        %dma_start3A_499 = tpu.memref_slice %arg2[%select_n3A, %add3A_492, %dma_start3A_497, %dma_start3A_498] : memref<8x256x128x128xf32, #tpu.memory_space<hbm>> -> memref<1x1x128x128xf32, #tpu.memory_space<hbm>>
        %dma_start3A_500 = tpu.memref_squeeze %dma_start3A_499 : memref<1x1x128x128xf32, #tpu.memory_space<hbm>> -> memref<128x128xf32, #tpu.memory_space<hbm>>
        %dma_start3A_501 = tpu.memref_slice %arg17[%dma_start3A_493] : memref<4x!tpu.dma_semaphore, #tpu.memory_space<semaphore_mem>> -> memref<1x!tpu.dma_semaphore, #tpu.memory_space<semaphore_mem>>
        %dma_start3A_502 = tpu.memref_squeeze %dma_start3A_501 : memref<1x!tpu.dma_semaphore, #tpu.memory_space<semaphore_mem>> -> memref<!tpu.dma_semaphore, #tpu.memory_space<semaphore_mem>>
        %dma_start3A_503 = arith.constant 0 : i32
        %dma_start3A_504 = arith.constant 0 : i32
        %dma_start3A_505 = tpu.memref_slice %arg14[%dma_start3A_503, %dma_start3A_504] : memref<136x128xf32, #tpu.memory_space<vmem>> -> memref<128x128xf32, #tpu.memory_space<vmem>>
        %dma_start3A_506 = arith.constant 0 : i32
        %dma_start3A_507 = arith.constant 0 : i32
        %dma_start3A_508 = tpu.memref_slice %arg2[%select_n3A, %add3A_492, %dma_start3A_506, %dma_start3A_507] : memref<8x256x128x128xf32, #tpu.memory_space<hbm>> -> memref<1x1x128x128xf32, #tpu.memory_space<hbm>>
        %dma_start3A_509 = tpu.memref_squeeze %dma_start3A_508 : memref<1x1x128x128xf32, #tpu.memory_space<hbm>> -> memref<128x128xf32, #tpu.memory_space<hbm>>
        tpu.enqueue_dma source(%dma_start3A_509 : memref<128x128xf32, #tpu.memory_space<hbm>>) target(%dma_start3A_505 : memref<128x128xf32, #tpu.memory_space<vmem>>) target_semaphore(%dma_start3A_502 : memref<!tpu.dma_semaphore, #tpu.memory_space<semaphore_mem>>)
        %add3A_510 = arith.addi %mul3A_32, %add3A_491 : i32
        %mul3A_511 = arith.constant 32 : i32
        %mul3A_512 = arith.muli %add3A_510, %mul3A_511 : i32
        %dma_start3A_513 = arith.constant 1 : i32
        %dma_start3A_514 = arith.constant 0 : i32
        %dma_start3A_515 = tpu.memref_slice %arg4[%select_n3A, %mul3A_512, %dma_start3A_514] : memref<8x8192x128xf32, #tpu.memory_space<hbm>> -> memref<1x32x128xf32, #tpu.memory_space<hbm>>
        %dma_start3A_516 = tpu.memref_squeeze %dma_start3A_515 : memref<1x32x128xf32, #tpu.memory_space<hbm>> -> memref<32x128xf32, #tpu.memory_space<hbm>>
        %dma_start3A_517 = tpu.memref_slice %arg17[%dma_start3A_513] : memref<4x!tpu.dma_semaphore, #tpu.memory_space<semaphore_mem>> -> memref<1x!tpu.dma_semaphore, #tpu.memory_space<semaphore_mem>>
        %dma_start3A_518 = tpu.memref_squeeze %dma_start3A_517 : memref<1x!tpu.dma_semaphore, #tpu.memory_space<semaphore_mem>> -> memref<!tpu.dma_semaphore, #tpu.memory_space<semaphore_mem>>
        %dma_start3A_519 = arith.constant 0 : i32
        %dma_start3A_520 = tpu.memref_slice %arg4[%select_n3A, %mul3A_512, %dma_start3A_519] : memref<8x8192x128xf32, #tpu.memory_space<hbm>> -> memref<1x32x128xf32, #tpu.memory_space<hbm>>
        %dma_start3A_521 = tpu.memref_squeeze %dma_start3A_520 : memref<1x32x128xf32, #tpu.memory_space<hbm>> -> memref<32x128xf32, #tpu.memory_space<hbm>>
        tpu.enqueue_dma source(%dma_start3A_521 : memref<32x128xf32, #tpu.memory_space<hbm>>) target(%arg10 : memref<32x128xf32, #tpu.memory_space<vmem>>) target_semaphore(%dma_start3A_518 : memref<!tpu.dma_semaphore, #tpu.memory_space<semaphore_mem>>)
      } else {
      }
      %parallel_loop3A_399 = arith.constant 0 : i32
      %parallel_loop3A_400 = arith.constant 256 : i32
      %parallel_loop3A_401 = arith.constant 1 : i32
      scf.for %parallel_loop3A_490 = %parallel_loop3A_399 to %parallel_loop3A_400 step %parallel_loop3A_401  : i32 {
        %parallel_loop3A_491 = arith.constant 16 : i32
        %parallel_loop3A_492 = arith.muli %parallel_loop3A_490, %parallel_loop3A_491 : i32
        %parallel_loop3A_493 = arith.index_cast %parallel_loop3A_492 : i32 to index
        %parallel_loop3A_494 = tpu.vector_load %arg8[%parallel_loop3A_493] {strides = array<i32>} : memref<4096xi32, #tpu.memory_space<vmem>>, vector<16xi32>,
        %parallel_loop3A_495 = arith.constant 3 : i32
        %parallel_loop3A_496 = arith.shrsi %parallel_loop3A_490, %parallel_loop3A_495 : i32
        %parallel_loop3A_497 = arith.constant 7 : i32
        %parallel_loop3A_498 = arith.andi %parallel_loop3A_490, %parallel_loop3A_497 : i32
        %parallel_loop3A_499 = arith.constant 16 : i32
        %parallel_loop3A_500 = arith.muli %parallel_loop3A_498, %parallel_loop3A_499 : i32
        %parallel_loop3A_501 = arith.index_cast %parallel_loop3A_496 : i32 to index
        %parallel_loop3A_502 = arith.index_cast %parallel_loop3A_500 : i32 to index
        %parallel_loop3A_503 = tpu.vector_load %arg11[%parallel_loop3A_501, %parallel_loop3A_502] {strides = array<i32>} : memref<32x128xf32, #tpu.memory_space<vmem>>, vector<16xf32>,
        %parallel_loop3A_504 = arith.constant 7 : i32
        %parallel_loop3A_505 = vector.broadcast %parallel_loop3A_504 : i32 to vector<16xi32>
        %parallel_loop3A_506 = arith.shrsi %parallel_loop3A_494, %parallel_loop3A_505 : vector<16xi32>
        %parallel_loop3A_507 = arith.constant 127 : i32
        %parallel_loop3A_508 = vector.broadcast %parallel_loop3A_507 : i32 to vector<16xi32>
        %parallel_loop3A_509 = arith.andi %parallel_loop3A_494, %parallel_loop3A_508 : vector<16xi32>
        tpu.vector_store_idx %arg15[%parallel_loop3A_506, %parallel_loop3A_509], %parallel_loop3A_503 : memref<136x128xf32, #tpu.memory_space<vmem>>[vector<16xi32>, vector<16xi32>], vector<16xf32>,
      } {sc.loop_unroll_factor = 4 : i64, sc.parallel_access}
      %add3A_402 = arith.addi %mul3A_32, %add3A_353 : i32
      %dma_start3A_403 = arith.constant 2 : i32
      %dma_start3A_404 = arith.constant 0 : i32
      %dma_start3A_405 = arith.constant 0 : i32
      %dma_start3A_406 = tpu.memref_slice %arg15[%dma_start3A_404, %dma_start3A_405] : memref<136x128xf32, #tpu.memory_space<vmem>> -> memref<128x128xf32, #tpu.memory_space<vmem>>
      %dma_start3A_407 = arith.constant 0 : i32
      %dma_start3A_408 = arith.constant 0 : i32
      %dma_start3A_409 = tpu.memref_slice %arg5[%select_n3A, %add3A_402, %dma_start3A_407, %dma_start3A_408] : memref<8x256x128x128xf32, #tpu.memory_space<hbm>> -> memref<1x1x128x128xf32, #tpu.memory_space<hbm>>
      %dma_start3A_410 = tpu.memref_squeeze %dma_start3A_409 : memref<1x1x128x128xf32, #tpu.memory_space<hbm>> -> memref<128x128xf32, #tpu.memory_space<hbm>>
      %dma_start3A_411 = tpu.memref_slice %arg18[%dma_start3A_403] : memref<4x!tpu.dma_semaphore, #tpu.memory_space<semaphore_mem>> -> memref<1x!tpu.dma_semaphore, #tpu.memory_space<semaphore_mem>>
      %dma_start3A_412 = tpu.memref_squeeze %dma_start3A_411 : memref<1x!tpu.dma_semaphore, #tpu.memory_space<semaphore_mem>> -> memref<!tpu.dma_semaphore, #tpu.memory_space<semaphore_mem>>
      %dma_start3A_413 = arith.constant 0 : i32
      %dma_start3A_414 = arith.constant 0 : i32
      %dma_start3A_415 = tpu.memref_slice %arg5[%select_n3A, %add3A_402, %dma_start3A_413, %dma_start3A_414] : memref<8x256x128x128xf32, #tpu.memory_space<hbm>> -> memref<1x1x128x128xf32, #tpu.memory_space<hbm>>
      %dma_start3A_416 = tpu.memref_squeeze %dma_start3A_415 : memref<1x1x128x128xf32, #tpu.memory_space<hbm>> -> memref<128x128xf32, #tpu.memory_space<hbm>>
      %dma_start3A_417 = arith.constant 0 : i32
      %dma_start3A_418 = arith.constant 0 : i32
      %dma_start3A_419 = tpu.memref_slice %arg15[%dma_start3A_417, %dma_start3A_418] : memref<136x128xf32, #tpu.memory_space<vmem>> -> memref<128x128xf32, #tpu.memory_space<vmem>>
      tpu.enqueue_dma source(%dma_start3A_419 : memref<128x128xf32, #tpu.memory_space<vmem>>) target(%dma_start3A_416 : memref<128x128xf32, #tpu.memory_space<hbm>>) target_semaphore(%dma_start3A_412 : memref<!tpu.dma_semaphore, #tpu.memory_space<semaphore_mem>>)
      %mul3A_420 = arith.constant 4 : i32
      %mul3A_421 = arith.muli %add3A_212, %mul3A_420 : i32
      %add3A_422 = arith.constant 3 : i32
      %add3A_423 = arith.addi %mul3A_421, %add3A_422 : i32
      %dma_wait3A_424 = arith.constant 3 : i32
      %dma_wait3A_425 = arith.constant 0 : i32
      %dma_wait3A_426 = arith.constant 0 : i32
      %dma_wait3A_427 = tpu.memref_slice %arg16[%dma_wait3A_425, %dma_wait3A_426] : memref<136x128xf32, #tpu.memory_space<vmem>> -> memref<128x128xf32, #tpu.memory_space<vmem>>
      %dma_wait3A_428 = arith.constant 0 : i32
      %dma_wait3A_429 = arith.constant 0 : i32
      %dma_wait3A_430 = tpu.memref_slice %arg2[%select_n3A, %mul3A_32, %dma_wait3A_428, %dma_wait3A_429] : memref<8x256x128x128xf32, #tpu.memory_space<hbm>> -> memref<1x1x128x128xf32, #tpu.memory_space<hbm>>
      %dma_wait3A_431 = tpu.memref_squeeze %dma_wait3A_430 : memref<1x1x128x128xf32, #tpu.memory_space<hbm>> -> memref<128x128xf32, #tpu.memory_space<hbm>>
      %dma_wait3A_432 = tpu.memref_slice %arg17[%dma_wait3A_424] : memref<4x!tpu.dma_semaphore, #tpu.memory_space<semaphore_mem>> -> memref<1x!tpu.dma_semaphore, #tpu.memory_space<semaphore_mem>>
      %dma_wait3A_433 = tpu.memref_squeeze %dma_wait3A_432 : memref<1x!tpu.dma_semaphore, #tpu.memory_space<semaphore_mem>> -> memref<!tpu.dma_semaphore, #tpu.memory_space<semaphore_mem>>
      %dma_wait3A_434 = arith.constant 0 : i32
      %dma_wait3A_435 = arith.constant 0 : i32
      %dma_wait3A_436 = tpu.memref_slice %arg16[%dma_wait3A_434, %dma_wait3A_435] : memref<136x128xf32, #tpu.memory_space<vmem>> -> memref<128x128xf32, #tpu.memory_space<vmem>>
      %dma_wait3A_437 = arith.constant 0 : i32
      %dma_wait3A_438 = arith.constant 0 : i32
      %dma_wait3A_439 = tpu.memref_slice %arg2[%select_n3A, %mul3A_32, %dma_wait3A_437, %dma_wait3A_438] : memref<8x256x128x128xf32, #tpu.memory_space<hbm>> -> memref<1x1x128x128xf32, #tpu.memory_space<hbm>>
      %dma_wait3A_440 = tpu.memref_squeeze %dma_wait3A_439 : memref<1x1x128x128xf32, #tpu.memory_space<hbm>> -> memref<128x128xf32, #tpu.memory_space<hbm>>
      tpu.wait_dma2 semaphore(%dma_wait3A_433 : memref<!tpu.dma_semaphore, #tpu.memory_space<semaphore_mem>>) src(%dma_wait3A_440 : memref<128x128xf32, #tpu.memory_space<hbm>>) dst(%dma_wait3A_436 : memref<128x128xf32, #tpu.memory_space<vmem>>)
      %dma_wait3A_441 = arith.constant 3 : i32
      %dma_wait3A_442 = arith.constant 0 : i32
      %dma_wait3A_443 = arith.constant 0 : i32
      %dma_wait3A_444 = tpu.memref_slice %arg4[%select_n3A, %dma_wait3A_442, %dma_wait3A_443] : memref<8x8192x128xf32, #tpu.memory_space<hbm>> -> memref<1x32x128xf32, #tpu.memory_space<hbm>>
      %dma_wait3A_445 = tpu.memref_squeeze %dma_wait3A_444 : memref<1x32x128xf32, #tpu.memory_space<hbm>> -> memref<32x128xf32, #tpu.memory_space<hbm>>
      %dma_wait3A_446 = tpu.memref_slice %arg17[%dma_wait3A_441] : memref<4x!tpu.dma_semaphore, #tpu.memory_space<semaphore_mem>> -> memref<1x!tpu.dma_semaphore, #tpu.memory_space<semaphore_mem>>
      %dma_wait3A_447 = tpu.memref_squeeze %dma_wait3A_446 : memref<1x!tpu.dma_semaphore, #tpu.memory_space<semaphore_mem>> -> memref<!tpu.dma_semaphore, #tpu.memory_space<semaphore_mem>>
      %dma_wait3A_448 = arith.constant 0 : i32
      %dma_wait3A_449 = arith.constant 0 : i32
      %dma_wait3A_450 = tpu.memref_slice %arg4[%select_n3A, %dma_wait3A_448, %dma_wait3A_449] : memref<8x8192x128xf32, #tpu.memory_space<hbm>> -> memref<1x32x128xf32, #tpu.memory_space<hbm>>
      %dma_wait3A_451 = tpu.memref_squeeze %dma_wait3A_450 : memref<1x32x128xf32, #tpu.memory_space<hbm>> -> memref<32x128xf32, #tpu.memory_space<hbm>>
      tpu.wait_dma2 semaphore(%dma_wait3A_447 : memref<!tpu.dma_semaphore, #tpu.memory_space<semaphore_mem>>) src(%dma_wait3A_451 : memref<32x128xf32, #tpu.memory_space<hbm>>) dst(%arg12 : memref<32x128xf32, #tpu.memory_space<vmem>>)
      %ge3A_452 = arith.constant 1 : i32
      %ge3A_453 = arith.cmpi sge, %add3A_423, %ge3A_452 : i32
      %add3A_454 = arith.constant 3 : i32
      %add3A_455 = arith.addi %add3A_423, %add3A_454 : i32
      %lt3A_456 = arith.constant 64 : i32
      %lt3A_457 = arith.cmpi slt, %add3A_455, %lt3A_456 : i32
      %and3A_458 = arith.andi %ge3A_453, %lt3A_457 : i1
      %convert_element_type3A_459 = arith.extui %and3A_458 : i1 to i32
      %cond3A_460 = arith.constant 0 : i32
      %cond3A_461 = arith.cmpi ne, %convert_element_type3A_459, %cond3A_460 : i32
      scf.if %cond3A_461 {
        %dma_wait3A_490 = arith.constant 2 : i32
        %dma_wait3A_491 = arith.constant 0 : i32
        %dma_wait3A_492 = arith.constant 0 : i32
        %dma_wait3A_493 = tpu.memref_slice %arg15[%dma_wait3A_491, %dma_wait3A_492] : memref<136x128xf32, #tpu.memory_space<vmem>> -> memref<128x128xf32, #tpu.memory_space<vmem>>
        %dma_wait3A_494 = arith.constant 0 : i32
        %dma_wait3A_495 = arith.constant 0 : i32
        %dma_wait3A_496 = tpu.memref_slice %arg5[%select_n3A, %mul3A_32, %dma_wait3A_494, %dma_wait3A_495] : memref<8x256x128x128xf32, #tpu.memory_space<hbm>> -> memref<1x1x128x128xf32, #tpu.memory_space<hbm>>
        %dma_wait3A_497 = tpu.memref_squeeze %dma_wait3A_496 : memref<1x1x128x128xf32, #tpu.memory_space<hbm>> -> memref<128x128xf32, #tpu.memory_space<hbm>>
        %dma_wait3A_498 = tpu.memref_slice %arg18[%dma_wait3A_490] : memref<4x!tpu.dma_semaphore, #tpu.memory_space<semaphore_mem>> -> memref<1x!tpu.dma_semaphore, #tpu.memory_space<semaphore_mem>>
        %dma_wait3A_499 = tpu.memref_squeeze %dma_wait3A_498 : memref<1x!tpu.dma_semaphore, #tpu.memory_space<semaphore_mem>> -> memref<!tpu.dma_semaphore, #tpu.memory_space<semaphore_mem>>
        %dma_wait3A_500 = arith.constant 0 : i32
        %dma_wait3A_501 = arith.constant 0 : i32
        %dma_wait3A_502 = tpu.memref_slice %arg5[%select_n3A, %mul3A_32, %dma_wait3A_500, %dma_wait3A_501] : memref<8x256x128x128xf32, #tpu.memory_space<hbm>> -> memref<1x1x128x128xf32, #tpu.memory_space<hbm>>
        %dma_wait3A_503 = tpu.memref_squeeze %dma_wait3A_502 : memref<1x1x128x128xf32, #tpu.memory_space<hbm>> -> memref<128x128xf32, #tpu.memory_space<hbm>>
        %dma_wait3A_504 = arith.constant 0 : i32
        %dma_wait3A_505 = arith.constant 0 : i32
        %dma_wait3A_506 = tpu.memref_slice %arg15[%dma_wait3A_504, %dma_wait3A_505] : memref<136x128xf32, #tpu.memory_space<vmem>> -> memref<128x128xf32, #tpu.memory_space<vmem>>
        tpu.wait_dma2 semaphore(%dma_wait3A_499 : memref<!tpu.dma_semaphore, #tpu.memory_space<semaphore_mem>>) src(%dma_wait3A_506 : memref<128x128xf32, #tpu.memory_space<vmem>>) dst(%dma_wait3A_503 : memref<128x128xf32, #tpu.memory_space<hbm>>)
      } else {
      }
      %add3A_462 = arith.constant 3 : i32
      %add3A_463 = arith.addi %add3A_423, %add3A_462 : i32
      %lt3A_464 = arith.constant 64 : i32
      %lt3A_465 = arith.cmpi slt, %add3A_463, %lt3A_464 : i32
      %convert_element_type3A_466 = arith.extui %lt3A_465 : i1 to i32
      %cond3A_467 = arith.constant 0 : i32
      %cond3A_468 = arith.cmpi ne, %convert_element_type3A_466, %cond3A_467 : i32
      scf.if %cond3A_468 {
        %add3A_490 = arith.constant 3 : i32
        %add3A_491 = arith.addi %add3A_423, %add3A_490 : i32
        %add3A_492 = arith.addi %mul3A_32, %add3A_491 : i32
        %dma_start3A_493 = arith.constant 2 : i32
        %dma_start3A_494 = arith.constant 0 : i32
        %dma_start3A_495 = arith.constant 0 : i32
        %dma_start3A_496 = tpu.memref_slice %arg15[%dma_start3A_494, %dma_start3A_495] : memref<136x128xf32, #tpu.memory_space<vmem>> -> memref<128x128xf32, #tpu.memory_space<vmem>>
        %dma_start3A_497 = arith.constant 0 : i32
        %dma_start3A_498 = arith.constant 0 : i32
        %dma_start3A_499 = tpu.memref_slice %arg2[%select_n3A, %add3A_492, %dma_start3A_497, %dma_start3A_498] : memref<8x256x128x128xf32, #tpu.memory_space<hbm>> -> memref<1x1x128x128xf32, #tpu.memory_space<hbm>>
        %dma_start3A_500 = tpu.memref_squeeze %dma_start3A_499 : memref<1x1x128x128xf32, #tpu.memory_space<hbm>> -> memref<128x128xf32, #tpu.memory_space<hbm>>
        %dma_start3A_501 = tpu.memref_slice %arg17[%dma_start3A_493] : memref<4x!tpu.dma_semaphore, #tpu.memory_space<semaphore_mem>> -> memref<1x!tpu.dma_semaphore, #tpu.memory_space<semaphore_mem>>
        %dma_start3A_502 = tpu.memref_squeeze %dma_start3A_501 : memref<1x!tpu.dma_semaphore, #tpu.memory_space<semaphore_mem>> -> memref<!tpu.dma_semaphore, #tpu.memory_space<semaphore_mem>>
        %dma_start3A_503 = arith.constant 0 : i32
        %dma_start3A_504 = arith.constant 0 : i32
        %dma_start3A_505 = tpu.memref_slice %arg15[%dma_start3A_503, %dma_start3A_504] : memref<136x128xf32, #tpu.memory_space<vmem>> -> memref<128x128xf32, #tpu.memory_space<vmem>>
        %dma_start3A_506 = arith.constant 0 : i32
        %dma_start3A_507 = arith.constant 0 : i32
        %dma_start3A_508 = tpu.memref_slice %arg2[%select_n3A, %add3A_492, %dma_start3A_506, %dma_start3A_507] : memref<8x256x128x128xf32, #tpu.memory_space<hbm>> -> memref<1x1x128x128xf32, #tpu.memory_space<hbm>>
        %dma_start3A_509 = tpu.memref_squeeze %dma_start3A_508 : memref<1x1x128x128xf32, #tpu.memory_space<hbm>> -> memref<128x128xf32, #tpu.memory_space<hbm>>
        tpu.enqueue_dma source(%dma_start3A_509 : memref<128x128xf32, #tpu.memory_space<hbm>>) target(%dma_start3A_505 : memref<128x128xf32, #tpu.memory_space<vmem>>) target_semaphore(%dma_start3A_502 : memref<!tpu.dma_semaphore, #tpu.memory_space<semaphore_mem>>)
        %add3A_510 = arith.addi %mul3A_32, %add3A_491 : i32
        %mul3A_511 = arith.constant 32 : i32
        %mul3A_512 = arith.muli %add3A_510, %mul3A_511 : i32
        %dma_start3A_513 = arith.constant 2 : i32
        %dma_start3A_514 = arith.constant 0 : i32
        %dma_start3A_515 = tpu.memref_slice %arg4[%select_n3A, %mul3A_512, %dma_start3A_514] : memref<8x8192x128xf32, #tpu.memory_space<hbm>> -> memref<1x32x128xf32, #tpu.memory_space<hbm>>
        %dma_start3A_516 = tpu.memref_squeeze %dma_start3A_515 : memref<1x32x128xf32, #tpu.memory_space<hbm>> -> memref<32x128xf32, #tpu.memory_space<hbm>>
        %dma_start3A_517 = tpu.memref_slice %arg17[%dma_start3A_513] : memref<4x!tpu.dma_semaphore, #tpu.memory_space<semaphore_mem>> -> memref<1x!tpu.dma_semaphore, #tpu.memory_space<semaphore_mem>>
        %dma_start3A_518 = tpu.memref_squeeze %dma_start3A_517 : memref<1x!tpu.dma_semaphore, #tpu.memory_space<semaphore_mem>> -> memref<!tpu.dma_semaphore, #tpu.memory_space<semaphore_mem>>
        %dma_start3A_519 = arith.constant 0 : i32
        %dma_start3A_520 = tpu.memref_slice %arg4[%select_n3A, %mul3A_512, %dma_start3A_519] : memref<8x8192x128xf32, #tpu.memory_space<hbm>> -> memref<1x32x128xf32, #tpu.memory_space<hbm>>
        %dma_start3A_521 = tpu.memref_squeeze %dma_start3A_520 : memref<1x32x128xf32, #tpu.memory_space<hbm>> -> memref<32x128xf32, #tpu.memory_space<hbm>>
        tpu.enqueue_dma source(%dma_start3A_521 : memref<32x128xf32, #tpu.memory_space<hbm>>) target(%arg11 : memref<32x128xf32, #tpu.memory_space<vmem>>) target_semaphore(%dma_start3A_518 : memref<!tpu.dma_semaphore, #tpu.memory_space<semaphore_mem>>)
      } else {
      }
      %parallel_loop3A_469 = arith.constant 0 : i32
      %parallel_loop3A_470 = arith.constant 256 : i32
      %parallel_loop3A_471 = arith.constant 1 : i32
      scf.for %parallel_loop3A_490 = %parallel_loop3A_469 to %parallel_loop3A_470 step %parallel_loop3A_471  : i32 {
        %parallel_loop3A_491 = arith.constant 16 : i32
        %parallel_loop3A_492 = arith.muli %parallel_loop3A_490, %parallel_loop3A_491 : i32
        %parallel_loop3A_493 = arith.index_cast %parallel_loop3A_492 : i32 to index
        %parallel_loop3A_494 = tpu.vector_load %arg8[%parallel_loop3A_493] {strides = array<i32>} : memref<4096xi32, #tpu.memory_space<vmem>>, vector<16xi32>,
        %parallel_loop3A_495 = arith.constant 3 : i32
        %parallel_loop3A_496 = arith.shrsi %parallel_loop3A_490, %parallel_loop3A_495 : i32
        %parallel_loop3A_497 = arith.constant 7 : i32
        %parallel_loop3A_498 = arith.andi %parallel_loop3A_490, %parallel_loop3A_497 : i32
        %parallel_loop3A_499 = arith.constant 16 : i32
        %parallel_loop3A_500 = arith.muli %parallel_loop3A_498, %parallel_loop3A_499 : i32
        %parallel_loop3A_501 = arith.index_cast %parallel_loop3A_496 : i32 to index
        %parallel_loop3A_502 = arith.index_cast %parallel_loop3A_500 : i32 to index
        %parallel_loop3A_503 = tpu.vector_load %arg12[%parallel_loop3A_501, %parallel_loop3A_502] {strides = array<i32>} : memref<32x128xf32, #tpu.memory_space<vmem>>, vector<16xf32>,
        %parallel_loop3A_504 = arith.constant 7 : i32
        %parallel_loop3A_505 = vector.broadcast %parallel_loop3A_504 : i32 to vector<16xi32>
        %parallel_loop3A_506 = arith.shrsi %parallel_loop3A_494, %parallel_loop3A_505 : vector<16xi32>
        %parallel_loop3A_507 = arith.constant 127 : i32
        %parallel_loop3A_508 = vector.broadcast %parallel_loop3A_507 : i32 to vector<16xi32>
        %parallel_loop3A_509 = arith.andi %parallel_loop3A_494, %parallel_loop3A_508 : vector<16xi32>
        tpu.vector_store_idx %arg16[%parallel_loop3A_506, %parallel_loop3A_509], %parallel_loop3A_503 : memref<136x128xf32, #tpu.memory_space<vmem>>[vector<16xi32>, vector<16xi32>], vector<16xf32>,
      } {sc.loop_unroll_factor = 4 : i64, sc.parallel_access}
      %add3A_472 = arith.addi %mul3A_32, %add3A_423 : i32
      %dma_start3A_473 = arith.constant 3 : i32
      %dma_start3A_474 = arith.constant 0 : i32
      %dma_start3A_475 = arith.constant 0 : i32
      %dma_start3A_476 = tpu.memref_slice %arg16[%dma_start3A_474, %dma_start3A_475] : memref<136x128xf32, #tpu.memory_space<vmem>> -> memref<128x128xf32, #tpu.memory_space<vmem>>
      %dma_start3A_477 = arith.constant 0 : i32
      %dma_start3A_478 = arith.constant 0 : i32
      %dma_start3A_479 = tpu.memref_slice %arg5[%select_n3A, %add3A_472, %dma_start3A_477, %dma_start3A_478] : memref<8x256x128x128xf32, #tpu.memory_space<hbm>> -> memref<1x1x128x128xf32, #tpu.memory_space<hbm>>
      %dma_start3A_480 = tpu.memref_squeeze %dma_start3A_479 : memref<1x1x128x128xf32, #tpu.memory_space<hbm>> -> memref<128x128xf32, #tpu.memory_space<hbm>>
      %dma_start3A_481 = tpu.memref_slice %arg18[%dma_start3A_473] : memref<4x!tpu.dma_semaphore, #tpu.memory_space<semaphore_mem>> -> memref<1x!tpu.dma_semaphore, #tpu.memory_space<semaphore_mem>>
      %dma_start3A_482 = tpu.memref_squeeze %dma_start3A_481 : memref<1x!tpu.dma_semaphore, #tpu.memory_space<semaphore_mem>> -> memref<!tpu.dma_semaphore, #tpu.memory_space<semaphore_mem>>
      %dma_start3A_483 = arith.constant 0 : i32
      %dma_start3A_484 = arith.constant 0 : i32
      %dma_start3A_485 = tpu.memref_slice %arg5[%select_n3A, %add3A_472, %dma_start3A_483, %dma_start3A_484] : memref<8x256x128x128xf32, #tpu.memory_space<hbm>> -> memref<1x1x128x128xf32, #tpu.memory_space<hbm>>
      %dma_start3A_486 = tpu.memref_squeeze %dma_start3A_485 : memref<1x1x128x128xf32, #tpu.memory_space<hbm>> -> memref<128x128xf32, #tpu.memory_space<hbm>>
      %dma_start3A_487 = arith.constant 0 : i32
      %dma_start3A_488 = arith.constant 0 : i32
      %dma_start3A_489 = tpu.memref_slice %arg16[%dma_start3A_487, %dma_start3A_488] : memref<136x128xf32, #tpu.memory_space<vmem>> -> memref<128x128xf32, #tpu.memory_space<vmem>>
      tpu.enqueue_dma source(%dma_start3A_489 : memref<128x128xf32, #tpu.memory_space<vmem>>) target(%dma_start3A_486 : memref<128x128xf32, #tpu.memory_space<hbm>>) target_semaphore(%dma_start3A_482 : memref<!tpu.dma_semaphore, #tpu.memory_space<semaphore_mem>>)
    }
    %scan3A_140 = arith.constant 16 : i32
    %dma_wait3A = arith.constant 0 : i32
    %dma_wait3A_141 = arith.constant 0 : i32
    %dma_wait3A_142 = arith.constant 0 : i32
    %dma_wait3A_143 = tpu.memref_slice %arg13[%dma_wait3A_141, %dma_wait3A_142] : memref<136x128xf32, #tpu.memory_space<vmem>> -> memref<128x128xf32, #tpu.memory_space<vmem>>
    %dma_wait3A_144 = arith.constant 0 : i32
    %dma_wait3A_145 = arith.constant 0 : i32
    %dma_wait3A_146 = tpu.memref_slice %arg5[%select_n3A, %mul3A_32, %dma_wait3A_144, %dma_wait3A_145] : memref<8x256x128x128xf32, #tpu.memory_space<hbm>> -> memref<1x1x128x128xf32, #tpu.memory_space<hbm>>
    %dma_wait3A_147 = tpu.memref_squeeze %dma_wait3A_146 : memref<1x1x128x128xf32, #tpu.memory_space<hbm>> -> memref<128x128xf32, #tpu.memory_space<hbm>>
    %dma_wait3A_148 = tpu.memref_slice %arg18[%dma_wait3A] : memref<4x!tpu.dma_semaphore, #tpu.memory_space<semaphore_mem>> -> memref<1x!tpu.dma_semaphore, #tpu.memory_space<semaphore_mem>>
    %dma_wait3A_149 = tpu.memref_squeeze %dma_wait3A_148 : memref<1x!tpu.dma_semaphore, #tpu.memory_space<semaphore_mem>> -> memref<!tpu.dma_semaphore, #tpu.memory_space<semaphore_mem>>
    %dma_wait3A_150 = arith.constant 0 : i32
    %dma_wait3A_151 = arith.constant 0 : i32
    %dma_wait3A_152 = tpu.memref_slice %arg5[%select_n3A, %mul3A_32, %dma_wait3A_150, %dma_wait3A_151] : memref<8x256x128x128xf32, #tpu.memory_space<hbm>> -> memref<1x1x128x128xf32, #tpu.memory_space<hbm>>
    %dma_wait3A_153 = tpu.memref_squeeze %dma_wait3A_152 : memref<1x1x128x128xf32, #tpu.memory_space<hbm>> -> memref<128x128xf32, #tpu.memory_space<hbm>>
    %dma_wait3A_154 = arith.constant 0 : i32
    %dma_wait3A_155 = arith.constant 0 : i32
    %dma_wait3A_156 = tpu.memref_slice %arg13[%dma_wait3A_154, %dma_wait3A_155] : memref<136x128xf32, #tpu.memory_space<vmem>> -> memref<128x128xf32, #tpu.memory_space<vmem>>
    tpu.wait_dma2 semaphore(%dma_wait3A_149 : memref<!tpu.dma_semaphore, #tpu.memory_space<semaphore_mem>>) src(%dma_wait3A_156 : memref<128x128xf32, #tpu.memory_space<vmem>>) dst(%dma_wait3A_153 : memref<128x128xf32, #tpu.memory_space<hbm>>)
    %dma_wait3A_157 = arith.constant 1 : i32
    %dma_wait3A_158 = arith.constant 0 : i32
    %dma_wait3A_159 = arith.constant 0 : i32
    %dma_wait3A_160 = tpu.memref_slice %arg14[%dma_wait3A_158, %dma_wait3A_159] : memref<136x128xf32, #tpu.memory_space<vmem>> -> memref<128x128xf32, #tpu.memory_space<vmem>>
    %dma_wait3A_161 = arith.constant 0 : i32
    %dma_wait3A_162 = arith.constant 0 : i32
    %dma_wait3A_163 = tpu.memref_slice %arg5[%select_n3A, %mul3A_32, %dma_wait3A_161, %dma_wait3A_162] : memref<8x256x128x128xf32, #tpu.memory_space<hbm>> -> memref<1x1x128x128xf32, #tpu.memory_space<hbm>>
    %dma_wait3A_164 = tpu.memref_squeeze %dma_wait3A_163 : memref<1x1x128x128xf32, #tpu.memory_space<hbm>> -> memref<128x128xf32, #tpu.memory_space<hbm>>
    %dma_wait3A_165 = tpu.memref_slice %arg18[%dma_wait3A_157] : memref<4x!tpu.dma_semaphore, #tpu.memory_space<semaphore_mem>> -> memref<1x!tpu.dma_semaphore, #tpu.memory_space<semaphore_mem>>
    %dma_wait3A_166 = tpu.memref_squeeze %dma_wait3A_165 : memref<1x!tpu.dma_semaphore, #tpu.memory_space<semaphore_mem>> -> memref<!tpu.dma_semaphore, #tpu.memory_space<semaphore_mem>>
    %dma_wait3A_167 = arith.constant 0 : i32
    %dma_wait3A_168 = arith.constant 0 : i32
    %dma_wait3A_169 = tpu.memref_slice %arg5[%select_n3A, %mul3A_32, %dma_wait3A_167, %dma_wait3A_168] : memref<8x256x128x128xf32, #tpu.memory_space<hbm>> -> memref<1x1x128x128xf32, #tpu.memory_space<hbm>>
    %dma_wait3A_170 = tpu.memref_squeeze %dma_wait3A_169 : memref<1x1x128x128xf32, #tpu.memory_space<hbm>> -> memref<128x128xf32, #tpu.memory_space<hbm>>
    %dma_wait3A_171 = arith.constant 0 : i32
    %dma_wait3A_172 = arith.constant 0 : i32
    %dma_wait3A_173 = tpu.memref_slice %arg14[%dma_wait3A_171, %dma_wait3A_172] : memref<136x128xf32, #tpu.memory_space<vmem>> -> memref<128x128xf32, #tpu.memory_space<vmem>>
    tpu.wait_dma2 semaphore(%dma_wait3A_166 : memref<!tpu.dma_semaphore, #tpu.memory_space<semaphore_mem>>) src(%dma_wait3A_173 : memref<128x128xf32, #tpu.memory_space<vmem>>) dst(%dma_wait3A_170 : memref<128x128xf32, #tpu.memory_space<hbm>>)
    %dma_wait3A_174 = arith.constant 2 : i32
    %dma_wait3A_175 = arith.constant 0 : i32
    %dma_wait3A_176 = arith.constant 0 : i32
    %dma_wait3A_177 = tpu.memref_slice %arg15[%dma_wait3A_175, %dma_wait3A_176] : memref<136x128xf32, #tpu.memory_space<vmem>> -> memref<128x128xf32, #tpu.memory_space<vmem>>
    %dma_wait3A_178 = arith.constant 0 : i32
    %dma_wait3A_179 = arith.constant 0 : i32
    %dma_wait3A_180 = tpu.memref_slice %arg5[%select_n3A, %mul3A_32, %dma_wait3A_178, %dma_wait3A_179] : memref<8x256x128x128xf32, #tpu.memory_space<hbm>> -> memref<1x1x128x128xf32, #tpu.memory_space<hbm>>
    %dma_wait3A_181 = tpu.memref_squeeze %dma_wait3A_180 : memref<1x1x128x128xf32, #tpu.memory_space<hbm>> -> memref<128x128xf32, #tpu.memory_space<hbm>>
    %dma_wait3A_182 = tpu.memref_slice %arg18[%dma_wait3A_174] : memref<4x!tpu.dma_semaphore, #tpu.memory_space<semaphore_mem>> -> memref<1x!tpu.dma_semaphore, #tpu.memory_space<semaphore_mem>>
    %dma_wait3A_183 = tpu.memref_squeeze %dma_wait3A_182 : memref<1x!tpu.dma_semaphore, #tpu.memory_space<semaphore_mem>> -> memref<!tpu.dma_semaphore, #tpu.memory_space<semaphore_mem>>
    %dma_wait3A_184 = arith.constant 0 : i32
    %dma_wait3A_185 = arith.constant 0 : i32
    %dma_wait3A_186 = tpu.memref_slice %arg5[%select_n3A, %mul3A_32, %dma_wait3A_184, %dma_wait3A_185] : memref<8x256x128x128xf32, #tpu.memory_space<hbm>> -> memref<1x1x128x128xf32, #tpu.memory_space<hbm>>
    %dma_wait3A_187 = tpu.memref_squeeze %dma_wait3A_186 : memref<1x1x128x128xf32, #tpu.memory_space<hbm>> -> memref<128x128xf32, #tpu.memory_space<hbm>>
    %dma_wait3A_188 = arith.constant 0 : i32
    %dma_wait3A_189 = arith.constant 0 : i32
    %dma_wait3A_190 = tpu.memref_slice %arg15[%dma_wait3A_188, %dma_wait3A_189] : memref<136x128xf32, #tpu.memory_space<vmem>> -> memref<128x128xf32, #tpu.memory_space<vmem>>
    tpu.wait_dma2 semaphore(%dma_wait3A_183 : memref<!tpu.dma_semaphore, #tpu.memory_space<semaphore_mem>>) src(%dma_wait3A_190 : memref<128x128xf32, #tpu.memory_space<vmem>>) dst(%dma_wait3A_187 : memref<128x128xf32, #tpu.memory_space<hbm>>)
    %dma_wait3A_191 = arith.constant 3 : i32
    %dma_wait3A_192 = arith.constant 0 : i32
    %dma_wait3A_193 = arith.constant 0 : i32
    %dma_wait3A_194 = tpu.memref_slice %arg16[%dma_wait3A_192, %dma_wait3A_193] : memref<136x128xf32, #tpu.memory_space<vmem>> -> memref<128x128xf32, #tpu.memory_space<vmem>>
    %dma_wait3A_195 = arith.constant 0 : i32
    %dma_wait3A_196 = arith.constant 0 : i32
    %dma_wait3A_197 = tpu.memref_slice %arg5[%select_n3A, %mul3A_32, %dma_wait3A_195, %dma_wait3A_196] : memref<8x256x128x128xf32, #tpu.memory_space<hbm>> -> memref<1x1x128x128xf32, #tpu.memory_space<hbm>>
    %dma_wait3A_198 = tpu.memref_squeeze %dma_wait3A_197 : memref<1x1x128x128xf32, #tpu.memory_space<hbm>> -> memref<128x128xf32, #tpu.memory_space<hbm>>
    %dma_wait3A_199 = tpu.memref_slice %arg18[%dma_wait3A_191] : memref<4x!tpu.dma_semaphore, #tpu.memory_space<semaphore_mem>> -> memref<1x!tpu.dma_semaphore, #tpu.memory_space<semaphore_mem>>
    %dma_wait3A_200 = tpu.memref_squeeze %dma_wait3A_199 : memref<1x!tpu.dma_semaphore, #tpu.memory_space<semaphore_mem>> -> memref<!tpu.dma_semaphore, #tpu.memory_space<semaphore_mem>>
    %dma_wait3A_201 = arith.constant 0 : i32
    %dma_wait3A_202 = arith.constant 0 : i32
    %dma_wait3A_203 = tpu.memref_slice %arg5[%select_n3A, %mul3A_32, %dma_wait3A_201, %dma_wait3A_202] : memref<8x256x128x128xf32, #tpu.memory_space<hbm>> -> memref<1x1x128x128xf32, #tpu.memory_space<hbm>>
    %dma_wait3A_204 = tpu.memref_squeeze %dma_wait3A_203 : memref<1x1x128x128xf32, #tpu.memory_space<hbm>> -> memref<128x128xf32, #tpu.memory_space<hbm>>
    %dma_wait3A_205 = arith.constant 0 : i32
    %dma_wait3A_206 = arith.constant 0 : i32
    %dma_wait3A_207 = tpu.memref_slice %arg16[%dma_wait3A_205, %dma_wait3A_206] : memref<136x128xf32, #tpu.memory_space<vmem>> -> memref<128x128xf32, #tpu.memory_space<vmem>>
    tpu.wait_dma2 semaphore(%dma_wait3A_200 : memref<!tpu.dma_semaphore, #tpu.memory_space<semaphore_mem>>) src(%dma_wait3A_207 : memref<128x128xf32, #tpu.memory_space<vmem>>) dst(%dma_wait3A_204 : memref<128x128xf32, #tpu.memory_space<hbm>>)
    return
  }
}

module attributes {stable_mosaic.version = 14 : i64} {
  func.func @_transpose_body(%arg0: i32, %arg1: i32, %arg2: memref<1x4096x128xf32, #tpu.memory_space<vmem>>, %arg3: memref<1x4096x128xf32, #tpu.memory_space<vmem>>) attributes {dimension_semantics = [#tpu.dimension_semantics<arbitrary>, #tpu.dimension_semantics<arbitrary>], iteration_bounds = array<i64: 8, 2>, scalar_prefetch = 0 : i64, scratch_operands = 0 : i64, tpu.core_type = #tpu.core_type<tc>, window_params = [{transform_indices = @transform_0, window_bounds = array<i64: 1, 4096, 128>}, {transform_indices = @transform_1, window_bounds = array<i64: 1, 4096, 128>}]} {
    %get3A = arith.constant 0 : index
    %get3A_0 = arith.constant 0 : index
    %get3A_1 = arith.constant 0 : index
    %get3A_2 = vector.load %arg2[%get3A, %get3A_0, %get3A_1] : memref<1x4096x128xf32, #tpu.memory_space<vmem>>, vector<1x4096x128xf32>
    %get3A_3 = vector.shape_cast %get3A_2 : vector<1x4096x128xf32> to vector<4096x128xf32>
    %transpose3A = tpu.transpose %get3A_3, [1, 0] : vector<4096x128xf32> -> vector<128x4096xf32>
    %reshape3A = vector.shape_cast %transpose3A : vector<128x4096xf32> to vector<4096x128xf32>
    %swap3A = arith.constant 0 : index
    %swap3A_4 = arith.constant 0 : index
    %swap3A_5 = arith.constant 0 : index
    %swap3A_6 = vector.load %arg3[%swap3A, %swap3A_4, %swap3A_5] : memref<1x4096x128xf32, #tpu.memory_space<vmem>>, vector<1x4096x128xf32>
    %swap3A_7 = vector.shape_cast %swap3A_6 : vector<1x4096x128xf32> to vector<4096x128xf32>
    %swap3A_8 = vector.shape_cast %reshape3A : vector<4096x128xf32> to vector<1x4096x128xf32>
    tpu.vector_store %arg3[%swap3A, %swap3A_4, %swap3A_5], %swap3A_8 {strides = array<i32>} : memref<1x4096x128xf32, #tpu.memory_space<vmem>>, vector<1x4096x128xf32>,
    return
  }
  func.func @transform_0(%arg0: i32, %arg1: i32) -> (i32, i32, i32) {
    %c0_i32 = arith.constant 0 : i32
    %c0_i32_0 = arith.constant 0 : i32
    return %arg0, %c0_i32, %arg1 : i32, i32, i32
  }
  func.func @transform_1(%arg0: i32, %arg1: i32) -> (i32, i32, i32) {
    %c0_i32 = arith.constant 0 : i32
    %c0_i32_0 = arith.constant 0 : i32
    return %arg0, %arg1, %c0_i32 : i32, i32, i32
  }
}

</mosaic_0001>

<sc_bundles>
// kernel: kernel.4.cloned.1.call-start
scs
__scs_entry_jumppad:
0x0: {  	(pc) =	sbr.rel $0x88, $3  }
0x1: {  	(tag) =	ssettag $0x0;
	lr =	simm.s32 $0x1  }
0x2: {  	[smem:$0x3F9E] =	sst lr;
	_ =	strace $0xD0000000  }
0x3: {  	_ = 	snop  }
0x4: {  	_ = 	snop  }
0x5: {  	_ = 	snop  }
0x6: {  	_ = 	snop  }
0x7: {  	_ = 	snop  }
__scs_overlays_trampoline_lowered:
0x8: {  	[smem:$0x3FAD] =	sst s0  }
0x9: {  	[smem:$0x3FAE] =	sst s1  }
0xa: {  	[smem:$0x3FAF] =	sst s2  }
0xb: {  	[smem:$0x3FB0] =	sst s3  }
0xc: {  	[smem:$0x3FB1] =	sst s4  }
0xd: {  	[smem:$0x3FB2] =	sst s5  }
0xe: {  	[smem:$0x3FB3] =	sst s6  }
0xf: {  	[smem:$0x3FB4] =	sst s7  }
0x10: {  	[smem:$0x3FB5] =	sst s8  }
0x11: {  	[smem:$0x3FB6] =	sst s9;
	s0 =	simm.s32 @!p0 $0x0  }
0x12: {  	s1 =	sld [smem:$0x3F9C];
	s0 =	simm.s32 @p0 $0x1  }
0x13: {  	[smem:$0x3FB7] =	sst s0;
	s0 =	simm.s32 @!p1 $0x0  }
0x14: {  	s2 =	sld [smem:$0x3F9B];
	s0 =	simm.s32 @p1 $0x1  }
0x15: {  	[smem:$0x3FB8] =	sst s0;
	s0 =	simm.s32 @!p2 $0x0  }
0x16: {  	s3 =	sld [smem:$0x3FDB];
	s0 =	simm.s32 @p2 $0x1  }
0x17: {  	s4 =	simm.s32 $0x1BF5;
	[smem:$0x3FBA] =	sst s0  }
0x18: {  	s0 =	sld [smem:$0x3F9D];
	_ =	swait.ge [sflag:s4], $0x0  }
0x19: {  	s7 =	sld [smem:$0x3F9E]  }
0x1a: {  	s8 =	sadd.s32 $0xFFFFE003, lr  }
0x1b: {  	s9 =	sadd.s32 $0xFFFFFEF7, lr;
	s5 =	simm.s32 $0xFFFFFFFF;
	p2 =	slt.u32 s8, $0xFFFFF086  }
0x1c: {  	p1 =	slt.u32 s9, $0xF7A;
	s5 =	simm.s32 @!p2 $0x0  }
0x1d: {  	s5 =	simm.s32 @p1 $0x1;
	p0 =	seq.s32 s7, s2  }
0x1e: {  	s7 =	smul.u32 @!p0 $0xF7A, s2;
	p2 =	seq.s32 @!p0 s5, $0x0  }
0x1f: {  	s9 =	smul.u32 $0xF7A, s1;
	s8 =	simm.s32 @!p0 $0x1BF5;
	p2 =	por !p2, p0  }
0x20: {  	[sflag:s8] =	ssyncset.s32 @!p0 $0xFFFFF086;
	s6 =	sadd.s32 @!p0 s3, s7;
	s7 =	simm.s32 @!p0 $0x108  }
0x21: {  	s3 =	sadd.s32 s3, s9;
	s6 =	sadd.s32 @!p0 $0x88, s6;
	s7 =	simm.s32 @p2 $0x1082  }
0x22: {  	[simem:s7], [sflag:s8] =	dma.local @!p0 [hbm:s6], $0xF7A  }
0x23: {  	s9 =	sor.u32 $0xD0000000, s2;
	s6 =	simm.s32 $0x108;
	_ =	swait.ge @!p0 [sflag:s8], $0x0  }
0x24: {  	s3 =	sadd.s32 $0x88, s3;
	s6 =	simm.s32 @!p1 $0x1082;
	[sflag:s4] =	ssyncset.s32 $0xFFFFF086  }
0x25: {  	[simem:s6], [sflag:s4] =	dma.local [hbm:s3], $0xF7A  }
0x26: {  	[smem:$0x3F9E] =	sst s1;
	(tag) =	ssettag s2;
	_ =	strace s9  }
0x27: {  	s1 =	sld [smem:$0x3FAE]  }
0x28: {  	s2 =	sld [smem:$0x3FAF]  }
0x29: {  	s4 =	sld [smem:$0x3FB1]  }
0x2a: {  	p0 =	seq.s32 s5, $0x0;
	s5 =	sld [smem:$0x3FB2]  }
0x2b: {  	s6 =	sld [smem:$0x3FB3]  }
0x2c: {  	s7 =	sld [smem:$0x3FB4]  }
0x2d: {  	s3 =	simm.s32 $0x108;
	s8 =	sld [smem:$0x3FB5]  }
0x2e: {  	s3 =	simm.s32 @!p0 $0x1082;
	s9 =	sld [smem:$0x3FB6]  }
0x2f: {  	lr =	sadd.s32 s0, s3;
	s0 =	sld [smem:$0x3FAD]  }
0x30: {  	s3 =	sld [smem:$0x3FB0]  }
0x31: {  	[smem:$0x3FB9] =	sst s10  }
0x32: {  	s10 =	sld [smem:$0x3FB7];
	_ =	sdelay $0x3  }
0x33: {  	p0 =	seq.s32 s10, $0x1;
	s10 =	sld [smem:$0x3FB9];
	_ =	sdelay $0x3  }
0x34: {  	[smem:$0x3FB9] =	sst s10  }
0x35: {  	s10 =	sld [smem:$0x3FB8];
	_ =	sdelay $0x3  }
0x36: {  	p1 =	seq.s32 s10, $0x1;
	s10 =	sld [smem:$0x3FB9];
	_ =	sdelay $0x3  }
0x37: {  	[smem:$0x3FB9] =	sst s10  }
0x38: {  	s10 =	sld [smem:$0x3FBA]  }
0x39: {  	_ = 	snop;
	(pc) =	sbr.ind lr, $3  }
0x3a: {  	_ = 	snop  }
0x3b: {  	_ = 	snop  }
0x3c: {  	p2 =	seq.s32 s10, $0x1;
	s10 =	sld [smem:$0x3FB9]  }
0x3d: {  	_ =	shalt  }
0x3e: {  	_ =	shalt  }
0x3f: {  	_ =	shalt  }
0x40: {  	_ =	shalt  }
0x41: {  	_ =	shalt  }
0x42: {  	_ =	shalt  }
0x43: {  	_ =	shalt  }
0x44: {  	_ =	shalt  }
0x45: {  	_ =	shalt  }
0x46: {  	_ =	shalt  }
0x47: {  	_ =	shalt  }
0x48: {  	_ =	shalt  }
0x49: {  	_ =	shalt  }
0x4a: {  	_ =	shalt  }
0x4b: {  	_ =	shalt  }
0x4c: {  	_ =	shalt  }
0x4d: {  	_ =	shalt  }
0x4e: {  	_ =	shalt  }
0x4f: {  	_ =	shalt  }
0x50: {  	_ =	shalt  }
0x51: {  	_ =	shalt  }
0x52: {  	_ =	shalt  }
0x53: {  	_ =	shalt  }
0x54: {  	_ =	shalt  }
0x55: {  	_ =	shalt  }
0x56: {  	_ =	shalt  }
0x57: {  	_ =	shalt  }
0x58: {  	_ =	shalt  }
0x59: {  	_ =	shalt  }
0x5a: {  	_ =	shalt  }
0x5b: {  	_ =	shalt  }
0x5c: {  	_ =	shalt  }
0x5d: {  	_ =	shalt  }
0x5e: {  	_ =	shalt  }
0x5f: {  	_ =	shalt  }
0x60: {  	_ =	shalt  }
0x61: {  	_ =	shalt  }
0x62: {  	_ =	shalt  }
0x63: {  	_ =	shalt  }
0x64: {  	_ =	shalt  }
0x65: {  	_ =	shalt  }
0x66: {  	_ =	shalt  }
0x67: {  	_ =	shalt  }
0x68: {  	_ =	shalt  }
0x69: {  	_ =	shalt  }
0x6a: {  	_ =	shalt  }
0x6b: {  	_ =	shalt  }
0x6c: {  	_ =	shalt  }
0x6d: {  	_ =	shalt  }
0x6e: {  	_ =	shalt  }
0x6f: {  	_ =	shalt  }
0x70: {  	_ =	shalt  }
0x71: {  	_ =	shalt  }
0x72: {  	_ =	shalt  }
0x73: {  	_ =	shalt  }
0x74: {  	_ =	shalt  }
0x75: {  	_ =	shalt  }
0x76: {  	_ =	shalt  }
0x77: {  	_ =	shalt  }
0x78: {  	_ =	shalt  }
0x79: {  	_ =	shalt  }
0x7a: {  	_ =	shalt  }
0x7b: {  	_ =	shalt  }
0x7c: {  	_ =	shalt  }
0x7d: {  	_ =	shalt  }
0x7e: {  	_ =	shalt  }
0x7f: {  	_ =	shalt  }
0x80: {  	_ =	shalt  }
0x81: {  	_ =	shalt  }
0x82: {  	_ =	shalt  }
0x83: {  	_ =	shalt  }
0x84: {  	_ =	shalt  }
0x85: {  	_ =	shalt  }
0x86: {  	_ =	shalt  }
0x87: {  	_ =	shalt  }
.Lfunc_end0:
.L_simem_size_0:
called_computation_lowered:
.L_overlay_start_0:
0x88: {  	s2 =	sld [smem:$0x3FD9]  }
0x89: {  	s3 =	sld [smem:$0x3FFE];
	_ =	sdelay $0x1  }
0x8a: {  	s1 =	srdreg.scid  }
0x8b: {  	s0 =	sand.u32 $0x1, s1  }
0x8c: {  	s17 =	sshll.u32 s0, $0xA;
	s2 =	sadd.s32 s3, s2  }
0x8d: {  	s2 =	sadd.s32 s2, s17  }
0x8e: {  	[smem:$0x3FC5] =	sst s2  }
0x8f: {  	_ = 	snop  }
0x90: {  	s2 =	sld [smem:$0x3FC9]  }
0x91: {  	s18 =	sld [smem:$0x3FD0];
	(tm) =	ssettm $0x1  }
0x92: {  	s4 =	sld [smem:$0x3FFB];
	_ =	sdelay $0x3  }
0x93: {  	_ =	strace s4  }
0x94: {  	s4 =	sld [smem:$0x3FFC];
	_ =	sdelay $0x3  }
0x95: {  	_ =	strace s4  }
0x96: {  	s4 =	sld [smem:$0x3FFD];
	_ =	sdelay $0x3  }
0x97: {  	_ =	strace s4  }
0x98: {  	_ =	strace $0x8FFFFFFF  }
0x99: {  	s19 =	sld [smem:$0x3FDB];
	_ =	sdelay $0x1  }
0x9a: {  	s5 =	simm.s32 $_scs_section_size  }
0x9b: {  	s6 =	simm.s32 $_size__tile_overlayer_lowered;
	s7 =	simm.s32 $_tile_overlayer_lowered  }
0x9c: {  	s22 =	simm.s32 $0x1BFF;
	s21 =	sshll.u32 s7, $0x1;
	s4 =	sadd.s32 s5, s19  }
0x9d: {  	s8 =	simm.s32 $0x0;
	s20 =	sshll.u32 s6, $0x1;
	s6 =	sadd.s32 s21, s4  }
0x9e: {  	[timem:s8], [sflag:s22] =	dma.local [hbm:s6], s20  }
0x9f: {  	_ =	swait.ge [sflag:s22], s20  }
0xa0: {  	s5 =	ssub.s32 $0x0, s20;
	[sflag:s22] =	ssyncset.done $0x0  }
0xa1: {  	[sflag:s22] =	ssyncadd.s32 s5;
	_ =	sdelay $0x1  }
0xa2: {  	s23 =	simm.s32 $0x1B8B  }
0xa3: {  	_ =	swait.ge [sflag:s23], $0x1  }
0xa4: {  	[sflag:s23] =	ssyncset.done $0x0  }
0xa5: {  	s25 =	simm.s32 $0x1B8E;
	s24 =	sld [smem:$0x3FFE];
	[sflag:s23] =	ssyncadd.s32 $0xFFFFFFFF  }
0xa6: {  	s26 =	simm.s32 $execute0_lowered;
	[smem:$0x3FD2] =	sst s25  }
0xa7: {  	s6 =	sshll.u32 s26, $0x1;
	_ =	strace $0x80000046;
	[dreg:$0x1] =	wrdreg $0xFFFFFFFF  }
0xa8: {  	s28 =	simm.s32 $_size_execute0_lowered;
	s4 =	sadd.s32 s4, s6;
	[dreg:$0x0] =	wrdreg $0x0  }
0xa9: {  	s6 =	sshll.u32 s28, $0x1;
	[dreg:$0x2] =	wrdreg s4  }
0xaa: {  	[dreg:$0x3] =	wrdreg s6  }
0xab: {  	[dreg:$0x4] =	wrdreg $0xC0  }
0xac: {  	_ =	task [dreg:s8], $0x5FFFF  }
0xad: {  	[dreg:$0x1] =	wrdreg $0xFFFFFFFF  }
0xae: {  	[dreg:$0x0] =	wrdreg $0x60  }
0xaf: {  	[dreg:$0x2] =	wrdreg s2  }
0xb0: {  	[dreg:$0x3] =	wrdreg s24  }
0xb1: {  	[dreg:$0x4] =	wrdreg s18  }
0xb2: {  	[dreg:$0x5] =	wrdreg $0x9  }
0xb3: {  	_ =	task.clear_ibuf [dreg:s8], $0x6FFFF;
	_ =	strace $0x90000046  }
0xb4: {  	s29 =	simm.s32 $0x9;
	_ =	strace $0x80000048  }
0xb5: {  	_ =	swait.ge [sflag:s29], $0x1  }
0xb6: {  	[sflag:s29] =	ssyncadd.s32 $0xFFFFFFFF  }
0xb7: {  	_ =	strace $0x90000048  }
0xb8: {  	_ =	sfence  }
0xb9: {  	s30 =	sld [smem:$0x0];
	_ =	sdelay $0x2  }
0xba: {  	s31 =	sshll.u32 s1, $0xD;
	s1 =	sshrl.u32 s1, $0x2  }
0xbb: {  	s3 =	sand.u32 $0x4000, s31;
	s1 =	sadd.s32 s1, s30  }
0xbc: {  	s0 =	sor.u32 s3, s0;
	s1 =	sshll.u32 s1, $0x11  }
0xbd: {  	s0 =	sor.u32 s1, s0  }
0xbe: {  	s0 =	sadd.s32 $0x8F2B, s0  }
0xbf: {  	[sflag:s0] =	ssyncadd.remote.s32 $0x1  }
0xc0: {  	_ =	sfence.sel $0xFFFF  }
0xc1: {  	[dreg:$0x0] =	wrdreg $0xFFFFFFFF;
	(pc) =	sbr.abs _section_cstart, $3  }
0xc2: {  	[dreg:$0x1] =	wrdreg $0xFFFFFFFF  }
0xc3: {  	_ =	task.clear_ibuf [dreg:s8], $0x2FFFF;
	_ =	strace $0x9FFFFFFF  }
0xc4: {  	(tm) =	ssettm $0x7FFFFFFF  }
0xc5: {  	_ =	shalt  }
tec
execute0_lowered:
.L_overlay_start_1:
0x0: {  	(tag) =	ssettag $0x1  }
0x1: {  	s1 =	rddreg [dreg:$0x0]  }
0x2: {  	s0 =	rddreg [dreg:$0x1]  }
0x3: {  	s3 =	rddreg [dreg:$0x2];
	s4 =	simm.s32 $0x0  }
0x4: {  	s7 =	stileid.u32;
	s2 =	srdreg.scid;
	s29 =	simm.s32 $0x1000  }
0x5: {  	s30 =	simm.s32 $0x1;
	s31 =	simm.s32 $0x16C00;
	[smem:$0x7FF] =	sst s4  }
0x6: {  	s8 =	sshrl.u32 s7, $0x1;
	s2 =	sand.u32 $0x1, s2;
	s7 =	sshll.u32 s7, $0x1  }
0x7: {  	_ =	strace $0x80000047;
	s5 =	sshll.u32 s8, $0x9;
	s6 =	ssub.s32 $0x2, s2  }
0x8: {  	s7 =	sand.u32 $0x2, s7;
	s9 =	sadd.s32 s5, s0;
	s10 =	sshrl.u32 s6, $0x1  }
0x9: {  	s5 =	sadd.s32 $0x1400, s0;
	s2 =	sor.u32 s2, s7;
	s7 =	sshll.u32 s8, $0x16  }
0xa: {  	s8 =	sshll.u32 s8, $0x14;
	s16 =	ssub.s32 s6, s10;
	s6 =	sshll.u32 s2, $0x6  }
0xb: {  	s19 =	sshll.u32 s2, $0x14;
	s2 =	sshll.u32 s2, $0x12;
	s26 =	sadd.s32 $0x400, s9  }
0xc: {  	s11 =	sor.u32 $0x1, s6;
	s10 =	sor.u32 s7, s19;
	s2 =	sor.u32 s8, s2  }
0xd: {  	s22 =	sor.u32 $0x2, s6;
	[dreg:$0xa] =	wrdreg s26;
	s28 =	sor.u32 $0x4, s6  }
0xe: {  	s17 =	sor.u32 $0x5, s6;
	s18 =	sor.u32 $0x6, s6;
	s0 =	smax.u32 s16, $0x1  }
0xf: {  	s12 =	sshll.u32 s11, $0xE;
	s10 =	sshrl.u32 s10, $0x3;
	s2 =	sshrl.u32 s2, $0x3  }
0x10: {  	s21 =	sshll.u32 s11, $0xC;
	s23 =	sshll.u32 s22, $0xE;
	[dreg:$0xb] =	wrdreg s28  }
0x11: {  	[dreg:$0xc] =	wrdreg s0;
	s12 =	sor.u32 s7, s12;
	s10 =	sadd.s32 s1, s10  }
0x12: {  	s2 =	sadd.s32 s5, s2;
	s11 =	sor.u32 s7, s23;
	[dreg:$0x4] =	wrdreg s10  }
0x13: {  	s23 =	simm.s32 $0xE400;
	[dreg:$0x5] =	wrdreg s2;
	s20 =	sshrl.u32 s12, $0x3  }
0x14: {  	s10 =	sshll.u32 s22, $0xC;
	s24 =	sshrl.u32 s11, $0x3;
	s22 =	simm.s32 $0x3  }
0x15: {  	s2 =	sadd.s32 s1, s20;
	s10 =	sor.u32 s8, s10;
	s20 =	sor.u32 $0x3, s6  }
0x16: {  	[dreg:$0x6] =	wrdreg s2;
	s2 =	sor.u32 s8, s21;
	s10 =	sshrl.u32 s10, $0x3  }
0x17: {  	s21 =	simm.s32 $0xA000;
	s2 =	sshrl.u32 s2, $0x3;
	s25 =	sadd.s32 s5, s10  }
0x18: {  	s10 =	simm.s32 $0x0;
	s2 =	sadd.s32 s5, s2;
	[dreg:$0x9] =	wrdreg s25  }
0x19: {  	s25 =	simm.s32 $0x12800;
	[dreg:$0x7] =	wrdreg s2;
	s2 =	sadd.s32 s1, s24  }
0x1a: {  	v0 =	vlaneseq.u32;
	s24 =	simm.s32 $0x4;
	[dreg:$0x8] =	wrdreg s2;
	s2 =	simm.s32 $0x2  }
.LBB2_1:
0x1b: {  	s0 =	rddreg [dreg:$0x4]  }
0x1c: {  	[tilespmem:s21], [sflag:$0x1] =	stream.linear.gather [hbm4b:s0+s4], $0x4000, $0x38;
	[tilespmem:$0x1B000] =	vst v63  }
0x1d: {  	s11 =	rddreg [dreg:$0x5];
	s9 =	simm.s32 $0x6000  }
0x1e: {  	[tilespmem:s9], [sflag:$0x1] =	stream.linear.gather [hbm4b:s11+s4], $0x1000, $0x38;
	[tilespmem:$0x1B000] =	vst v63  }
0x1f: {  	s12 =	rddreg [dreg:$0x6]  }
0x20: {  	[tilespmem:s23], [sflag:$0x2] =	stream.linear.gather [hbm4b:s12+s4], $0x4000, $0x38;
	[tilespmem:$0x1B000] =	vst v63  }
0x21: {  	s13 =	rddreg [dreg:$0x7];
	s14 =	simm.s32 $0x7000  }
0x22: {  	[tilespmem:s14], [sflag:$0x2] =	stream.linear.gather [hbm4b:s13+s4], $0x1000, $0x38;
	[tilespmem:$0x1B000] =	vst v63  }
0x23: {  	s15 =	rddreg [dreg:$0x8]  }
0x24: {  	[tilespmem:s25], [sflag:$0x3] =	stream.linear.gather [hbm4b:s15+s4], $0x4000, $0x38;
	[tilespmem:$0x1B000] =	vst v63  }
0x25: {  	s16 =	rddreg [dreg:$0x9];
	s19 =	simm.s32 $0x8000  }
0x26: {  	[tilespmem:s19], [sflag:$0x3] =	stream.linear.gather [hbm4b:s16+s4], $0x1000, $0x38;
	[tilespmem:$0x1B000] =	vst v63  }
0x27: {  	s26 =	rddreg [dreg:$0xa];
	s28 =	simm.s32 $0x9  }
0x28: {  	[tilespmem:s4], [sflag:$0x9] =	stream.linear.gather [hbm4b:s26+s4], $0x1000, $0x38;
	[tilespmem:$0x1B000] =	vst v63  }
0x29: {  	_ =	swait.ge [sflag:s28], $0x1000  }
0x2a: {  	[sflag:s28] =	ssyncset.done $0x0  }
0x2b: {  	s9 =	simm.s32 $0x0;
	[sflag:s28] =	ssyncadd.s32 $0xFFFFF000  }
.LBB2_2:
0x2c: {  	s13 =	sand.u32 $0xFF0, s9  }
0x2d: {  	v1 =	vld [tilespmem:s13+$0x0];
	_ =	sdelay $0x4  }
0x2e: {  	(xrf1) =	vunique.msk.u32 $0xffff, v1;
	_ =	sdelay $0xd  }
0x2f: {  	_, v2, vm0 =	vpop (xrf1)  }
0x30: {  	p0 =	sne.s32 s9, $0xFF0  }
.Ltmp0:
0x31: {  	_ = 	snop;
	(pc) =	sbr.rel @p0 .LBB2_2-.Ltmp0, $3  }
0x32: {  	_ =	sdelay $0x1  }
0x33: {  	v2 =	vor.u32 s9, v0  }
0x34: {  	s9 =	sadd.s32 $0x10, s9;
	[tilespmem:v1+s29+$0x0] =	vst.idx.msk vm0, v2  }
0x35: {  	s9 =	simm.s32 $0x10;
	s13 =	simm.s32 $0x0  }
0x36: {  	s14 =	sand.u32 $0xF80, s13;
	s15 =	sand.u32 $0x70, s9  }
0x37: {  	[dreg:$0xd] =	wrdreg s10;
	s14 =	sor.u32 s15, s14  }
0x38: {  	s28 =	sand.u32 $0xFE0, s13;
	v3 =	vld [tilespmem:s14+$0x0]  }
0x39: {  	v5 =	vld [tilespmem:s28+$0x0]  }
0x3a: {  	s19 =	simm.s32 $0x20;
	s15 =	simm.s32 $0x30  }
0x3b: {  	s0 =	sand.u32 $0xF80, s19;
	s26 =	sand.u32 $0x70, s15  }
0x3c: {  	s14 =	sor.u32 s26, s0  }
0x3d: {  	v2 =	vld [tilespmem:s14+$0x0]  }
0x3e: {  	s10 =	sand.u32 $0xFE0, s19  }
0x3f: {  	v1 =	vld [tilespmem:s10+$0x0]  }
0x40: {  	v4 =	vld.idx.msk [tilespmem:v3+s29+$0x0], $0xffff  }
0x41: {  	v6 =	vld.idx.msk [tilespmem:v5+s29+$0x0], $0xffff;
	_ =	sdelay $0x1  }
0x42: {  	s11 =	simm.s32 $0x40;
	v7 =	vor.u32 s13, v0;
	s13 =	simm.s32 $0x50  }
0x43: {  	v8 =	vor.u32 s9, v0;
	s12 =	sand.u32 $0xF80, s11;
	s16 =	sand.u32 $0x70, s13;
	v9 =	vand.u32 $0x7F, v3  }
0x44: {  	s28 =	sor.u32 s16, s12;
	v11 =	vand.u32 $0x7F, v5;
	v10 =	vld.idx.msk [tilespmem:v2+s29+$0x0], $0xffff;
	vm0 =	veq.s32 v4, v8;
	v8 =	vor.u32 $0x4000, v9  }
0x45: {  	s9 =	sand.u32 $0xFE0, s11;
	s14 =	simm.s32 $0x5010;
	v9 =	vor.u32 $0x4000, v11;
	v8 =	vsel vm0, v3, v8;
	vm0 =	veq.s32 v6, v7;
	v6 =	vld [tilespmem:s28+$0x0]  }
0x46: {  	[tilespmem:s14+$0x0] =	vst v8;
	v8 =	vsel vm0, v5, v9;
	v5 =	vld [tilespmem:s9+$0x0];
	_ =	sdelay $0x1  }
0x47: {  	v12 =	vand.u32 $0x7F, v2;
	v4 =	vor.u32 s19, v0;
	[tilespmem:s14+$0xFFFFFFF0] =	vst v8;
	v8 =	vld.idx.msk [tilespmem:v1+s29+$0x0], $0xffff  }
0x48: {  	v11 =	vand.u32 $0x7F, v1;
	v3 =	vor.u32 s11, v0;
	v9 =	vor.u32 s15, v0  }
0x49: {  	s19 =	simm.s32 $0x70;
	v7 =	vor.u32 $0x4000, v11;
	s15 =	simm.s32 $0x4;
	vm0 =	veq.s32 v10, v9;
	v9 =	vor.u32 $0x4000, v12  }
.LBB2_4:
0x4a: {  	s9 =	sadd.s32 $0xFFFFFFF0, s19;
	s15 =	sadd.s32 $0x2, s15;
	v10 =	vand.u32 $0x7F, v5;
	v9 =	vsel vm0, v2, v9;
	s14 =	sadd.s32 $0x20, s14;
	v2 =	vmovc v6;
	v11 =	vmov v5  }
0x4b: {  	s28 =	sand.u32 $0x70, s19;
	s26 =	sand.u32 $0xF80, s9;
	v12 =	vor.u32 s9, v0;
	p0 =	slt.u32 s15, $0xFE;
	v10 =	vor.u32 $0x4000, v10;
	[tilespmem:s14+$0x0] =	vst v9  }
0x4c: {  	s9 =	sand.u32 $0xFE0, s9;
	vm0 =	veq.s32 v8, v4;
	v4 =	vmov v3;
	s26 =	sor.u32 s28, s26;
	v9 =	vld.idx.msk [tilespmem:v6+s29+$0x0], $0xffff;
	v3 =	vmov v12  }
0x4d: {  	v8 =	vsel vm0, v1, v7;
	v7 =	vmov v10;
	v1 =	vmov v5;
	v6 =	vld [tilespmem:s26+$0x0]  }
.Ltmp1:
0x4e: {  	v5 =	vld [tilespmem:s9+$0x0];
	[tilespmem:s14+$0xFFFFFFF0] =	vst v8;
	(pc) =	sbr.rel @p0 .LBB2_4-.Ltmp1, $3  }
0x4f: {  	v8 =	vld.idx.msk [tilespmem:v11+s29+$0x0], $0xffff;
	_ =	sdelay $0x1  }
0x50: {  	v10 =	vor.u32 s13, v0;
	s13 =	smov.u32 s19;
	v11 =	vand.u32 $0x7F, v2  }
0x51: {  	s19 =	sadd.s32 $0x20, s19;
	vm0 =	veq.s32 v9, v10;
	v9 =	vor.u32 $0x4000, v11  }
0x52: {  	_ =	sdelay $0x3  }
0x53: {  	v10 =	vld.idx.msk [tilespmem:v6+s29+$0x0], $0xffff  }
0x54: {  	v11 =	vld.idx.msk [tilespmem:v5+s29+$0x0], $0xffff;
	_ =	sdelay $0x1  }
0x55: {  	v2 =	vsel vm0, v2, v9;
	v60 =	vand.u32 $0x7F, v5  }
0x56: {  	s9 =	sadd.s32 $0x20, s14;
	v61 =	vor.u32 s13, v0;
	v62 =	vand.u32 $0x7F, v6;
	vm13 =	veq.s32 v8, v4  }
0x57: {  	[tilespmem:s9+$0x0] =	vst v2;
	v2 =	vor.u32 $0x4000, v62;
	v1 =	vsel vm13, v1, v7;
	vm14 =	veq.s32 v10, v61  }
0x58: {  	v63 =	vor.u32 $0x4000, v60;
	[tilespmem:s9+$0xFFFFFFF0] =	vst v1;
	s9 =	sadd.s32 $0x20, s9;
	vm15 =	veq.s32 v11, v3;
	v1 =	vsel vm14, v6, v2  }
0x59: {  	[tilespmem:s9+$0x0] =	vst v1;
	v1 =	vsel vm15, v5, v63  }
0x5a: {  	s13 =	simm.s32 $0x0;
	[tilespmem:s9+$0xFFFFFFF0] =	vst v1  }
.LBB2_6:
0x5b: {  	_ =	swait.ge [sflag:s30], $0x4000  }
0x5c: {  	[sflag:s30] =	ssyncset.done $0x0  }
0x5d: {  	[sflag:s30] =	ssyncadd.s32 $0xFFFFC000  }
0x5e: {  	s15 =	sshll.u32 s13, $0x2;
	p0 =	seq.s32 s13, $0x0;
	_ =	swait.ge [sflag:s30], $0x1000  }
0x5f: {  	s0 =	simm.s32 $0x9000;
	s9 =	sor.u32 s20, s15;
	[sflag:s30] =	ssyncset.done $0x0  }
0x60: {  	s19 =	simm.s32 @!p0 $0x8;
	s14 =	sshll.u32 s9, $0xE;
	[sflag:s30] =	ssyncadd.s32 $0xFFFFF000  }
0x61: {  	s9 =	sshll.u32 s9, $0xC;
	s14 =	sadd.s32 s7, s14;
	_ =	swait.ge @!p0 [sflag:s19], $0x4000  }
0x62: {  	s9 =	sadd.s32 s8, s9;
	s14 =	sshrl.u32 s14, $0x3;
	[sflag:s19] =	ssyncset.done @!p0 $0x0  }
0x63: {  	s9 =	sshrl.u32 s9, $0x3;
	s12 =	sadd.s32 s1, s14;
	[sflag:s19] =	ssyncadd.s32 @!p0 $0xFFFFC000  }
0x64: {  	[tilespmem:s31], [sflag:$0x4] =	stream.linear.gather [hbm4b:s12+s4], $0x4000, $0x38;
	[tilespmem:$0x1B000] =	vst v63  }
0x65: {  	s16 =	simm.s32 $0x0;
	s9 =	sadd.s32 s5, s9;
	s19 =	simm.s32 $0x5020  }
0x66: {  	[tilespmem:s0], [sflag:$0x4] =	stream.linear.gather [hbm4b:s9+s4], $0x1000, $0x38;
	[tilespmem:$0x1B000] =	vst v63  }
0x67: {  	s26 =	simm.s32 $0x30;
	s28 =	sand.u32 $0xF80, s16;
	v3 =	vld [tilespmem:s19+$0x10]  }
0x68: {  	s10 =	simm.s32 $0x10;
	s26 =	sand.u32 $0x70, s26;
	s28 =	sor.u32 $0x6000, s28;
	v1 =	vld [tilespmem:s19+$0xFFFFFFF0]  }
0x69: {  	s10 =	sand.u32 $0x50, s10;
	s26 =	sor.u32 s26, s28;
	v2 =	vld [tilespmem:s19+$0x0]  }
0x6a: {  	s10 =	sor.u32 s10, s28;
	s9 =	sand.u32 $0x40, s16;
	v8 =	vld [tilespmem:s26+$0x0]  }
0x6b: {  	s11 =	simm.s32 $0x20;
	s9 =	sor.u32 s9, s28;
	v7 =	vld [tilespmem:s10+$0x0]  }
0x6c: {  	s11 =	sand.u32 $0x60, s11;
	v6 =	vld [tilespmem:s9+$0x0]  }
0x6d: {  	s26 =	sor.u32 s11, s28;
	v4 =	vld [tilespmem:s19+$0xFFFFFFE0]  }
0x6e: {  	s28 =	simm.s32 $0x0;
	v5 =	vld [tilespmem:s26+$0x0];
	s26 =	simm.s32 $0x70  }
.LBB2_7:
0x6f: {  	s9 =	sadd.s32 $0xFFFFFFD0, s26  }
0x70: {  	s28 =	sadd.s32 $0x4, s28;
	[tilespmem:v3+s21+$0x0] =	vst.idx.msk $0xffff, v8;
	s19 =	sadd.s32 $0x40, s19;
	s11 =	sadd.s32 $0xFFFFFFE0, s26  }
0x71: {  	s12 =	sadd.s32 $0xFFFFFFF0, s26;
	s10 =	sand.u32 $0xF80, s9;
	v3 =	vld [tilespmem:s19+$0x10];
	p0 =	slt.u32 s28, $0xFC;
	v9 =	vmov v6  }
0x72: {  	s0 =	sand.u32 $0x70, s26;
	s9 =	sand.u32 $0x40, s9;
	s10 =	sor.u32 $0x6000, s10;
	[tilespmem:v1+s21+$0x0] =	vst.idx.msk $0xffff, v7;
	v1 =	vld [tilespmem:s19+$0xFFFFFFF0]  }
0x73: {  	s11 =	sand.u32 $0x50, s11;
	s12 =	sand.u32 $0x60, s12;
	s0 =	sor.u32 s0, s10;
	[tilespmem:v2+s21+$0x0] =	vst.idx.msk $0xffff, v5;
	v2 =	vld [tilespmem:s19+$0x0]  }
.Ltmp2:
0x74: {  	s9 =	sor.u32 s9, s10;
	s11 =	sor.u32 s11, s10;
	v8 =	vld [tilespmem:s0+$0x0];
	(pc) =	sbr.rel @p0 .LBB2_7-.Ltmp2, $4  }
0x75: {  	s0 =	sor.u32 s12, s10;
	v6 =	vld [tilespmem:s9+$0x0]  }
0x76: {  	v7 =	vld [tilespmem:s11+$0x0]  }
0x77: {  	v5 =	vld [tilespmem:s0+$0x0];
	[tilespmem:v4+s21+$0x0] =	vst.idx.msk $0xffff, v9  }
0x78: {  	s26 =	sadd.s32 $0x40, s26;
	v4 =	vld [tilespmem:s19+$0xFFFFFFE0]  }
0x79: {  	_ =	sdelay $0x3  }
0x7a: {  	s0 =	sadd.s32 s6, s15  }
0x7b: {  	[tilespmem:v3+s21+$0x0] =	vst.idx.msk $0xffff, v8;
	s0 =	sshll.u32 s0, $0xE  }
0x7c: {  	[tilespmem:v1+s21+$0x0] =	vst.idx.msk $0xffff, v7;
	s0 =	sadd.s32 s7, s0  }
0x7d: {  	[tilespmem:v2+s21+$0x0] =	vst.idx.msk $0xffff, v5;
	s0 =	sshrl.u32 s0, $0x3  }
0x7e: {  	[tilespmem:v4+s21+$0x0] =	vst.idx.msk $0xffff, v6;
	s0 =	sadd.s32 s3, s0  }
0x7f: {  	[hbm4b:s0+s4] =	stream.linear.scatter [tilespmem:s21], [sflag:$0x5], $0x4000, $0x38;
	[tilespmem:$0x1B000] =	vst v63  }
0x80: {  	_ =	swait.ge [sflag:s2], $0x4000  }
0x81: {  	[sflag:s2] =	ssyncset.done $0x0  }
0x82: {  	[sflag:s2] =	ssyncadd.s32 $0xFFFFC000  }
0x83: {  	_ =	swait.ge [sflag:s2], $0x1000  }
0x84: {  	p0 =	seq.s32 s13, $0xF;
	[sflag:s2] =	ssyncset.done $0x0;
	s9 =	rddreg [dreg:$0xb]  }
0x85: {  	s0 =	simm.s32 @!p0 $0x5;
	[sflag:s2] =	ssyncadd.s32 $0xFFFFF000;
	s9 =	sadd.s32 @!p0 s15, s9  }
0x86: {  	_ =	swait.ge @!p0 [sflag:s0], $0x4000;
	s10 =	sshll.u32 @!p0 s9, $0xE  }
0x87: {  	[sflag:s0] =	ssyncset.done @!p0 $0x0;
	s10 =	sadd.s32 @!p0 s7, s10  }
0x88: {  	[sflag:s0] =	ssyncadd.s32 @!p0 $0xFFFFC000;
	s0 =	sshrl.u32 @!p0 s10, $0x3  }
0x89: {  	s11 =	simm.s32 @!p0 $0xA000;
	s10 =	simm.s32 @!p0 $0x0;
	s0 =	sadd.s32 @!p0 s1, s0  }
0x8a: {  	[tilespmem:s11], [sflag:$0x1] =	stream.linear.gather @!p0 [hbm4b:s0+s10], $0x4000, $0x38;
	[tilespmem:$0x1B000] =	vst v63  }
0x8b: {  	s0 =	sshll.u32 @!p0 s9, $0xC  }
0x8c: {  	s0 =	sadd.s32 @!p0 s8, s0  }
0x8d: {  	s0 =	sshrl.u32 @!p0 s0, $0x3  }
0x8e: {  	s19 =	simm.s32 $0x5020;
	s9 =	simm.s32 @!p0 $0x6000;
	s0 =	sadd.s32 @!p0 s5, s0  }
0x8f: {  	[tilespmem:s9], [sflag:$0x1] =	stream.linear.gather @!p0 [hbm4b:s0+s10], $0x1000, $0x38;
	[tilespmem:$0x1B000] =	vst v63  }
0x90: {  	s11 =	simm.s32 $0x0;
	v3 =	vld [tilespmem:s19+$0x10]  }
0x91: {  	s12 =	simm.s32 $0x30;
	s16 =	sand.u32 $0xF80, s11;
	v1 =	vld [tilespmem:s19+$0xFFFFFFF0]  }
0x92: {  	s10 =	sor.u32 $0x7000, s16;
	s9 =	sand.u32 $0x70, s12;
	v2 =	vld [tilespmem:s19+$0x0]  }
0x93: {  	s26 =	simm.s32 $0x10;
	s0 =	sand.u32 $0x40, s11;
	s9 =	sor.u32 s9, s10;
	v4 =	vld [tilespmem:s19+$0xFFFFFFE0]  }
0x94: {  	s12 =	simm.s32 $0x20;
	s11 =	sand.u32 $0x50, s26;
	s0 =	sor.u32 s0, s10;
	v8 =	vld [tilespmem:s9+$0x0]  }
0x95: {  	s16 =	sand.u32 $0x60, s12;
	s9 =	sor.u32 s11, s10;
	v6 =	vld [tilespmem:s0+$0x0]  }
0x96: {  	s26 =	sor.u32 s16, s10;
	v7 =	vld [tilespmem:s9+$0x0]  }
0x97: {  	s28 =	sor.u32 $0x1, s15;
	v5 =	vld [tilespmem:s26+$0x0];
	s26 =	simm.s32 $0x0;
	s9 =	simm.s32 $0x70  }
.LBB2_9:
0x98: {  	s0 =	sadd.s32 $0xFFFFFFD0, s9  }
0x99: {  	s26 =	sadd.s32 $0x4, s26;
	[tilespmem:v3+s23+$0x0] =	vst.idx.msk $0xffff, v8;
	s19 =	sadd.s32 $0x40, s19;
	s11 =	sadd.s32 $0xFFFFFFE0, s9  }
0x9a: {  	s12 =	sadd.s32 $0xFFFFFFF0, s9;
	s10 =	sand.u32 $0xF80, s0;
	v3 =	vld [tilespmem:s19+$0x10];
	p1 =	slt.u32 s26, $0xFC;
	v9 =	vmov v6  }
0x9b: {  	s16 =	sand.u32 $0x70, s9;
	s0 =	sand.u32 $0x40, s0;
	s10 =	sor.u32 $0x7000, s10;
	[tilespmem:v1+s23+$0x0] =	vst.idx.msk $0xffff, v7;
	v1 =	vld [tilespmem:s19+$0xFFFFFFF0]  }
0x9c: {  	s11 =	sand.u32 $0x50, s11;
	s12 =	sand.u32 $0x60, s12;
	s16 =	sor.u32 s16, s10;
	[tilespmem:v2+s23+$0x0] =	vst.idx.msk $0xffff, v5;
	v2 =	vld [tilespmem:s19+$0x0]  }
.Ltmp3:
0x9d: {  	s0 =	sor.u32 s0, s10;
	s11 =	sor.u32 s11, s10;
	v8 =	vld [tilespmem:s16+$0x0];
	(pc) =	sbr.rel @p1 .LBB2_9-.Ltmp3, $4  }
0x9e: {  	v6 =	vld [tilespmem:s0+$0x0];
	s0 =	sor.u32 s12, s10  }
0x9f: {  	v7 =	vld [tilespmem:s11+$0x0]  }
0xa0: {  	v5 =	vld [tilespmem:s0+$0x0];
	[tilespmem:v4+s23+$0x0] =	vst.idx.msk $0xffff, v9  }
0xa1: {  	s9 =	sadd.s32 $0x40, s9;
	v4 =	vld [tilespmem:s19+$0xFFFFFFE0]  }
0xa2: {  	_ =	sdelay $0x3  }
0xa3: {  	s0 =	sadd.s32 s6, s28  }
0xa4: {  	[tilespmem:v3+s23+$0x0] =	vst.idx.msk $0xffff, v8;
	s0 =	sshll.u32 s0, $0xE  }
0xa5: {  	[tilespmem:v1+s23+$0x0] =	vst.idx.msk $0xffff, v7;
	s0 =	sadd.s32 s7, s0  }
0xa6: {  	[tilespmem:v2+s23+$0x0] =	vst.idx.msk $0xffff, v5;
	s0 =	sshrl.u32 s0, $0x3  }
0xa7: {  	[tilespmem:v4+s23+$0x0] =	vst.idx.msk $0xffff, v6;
	s0 =	sadd.s32 s3, s0  }
0xa8: {  	[hbm4b:s0+s4] =	stream.linear.scatter [tilespmem:s23], [sflag:$0x6], $0x4000, $0x38;
	[tilespmem:$0x1B000] =	vst v63  }
0xa9: {  	_ =	swait.ge [sflag:s22], $0x4000  }
0xaa: {  	[sflag:s22] =	ssyncset.done $0x0  }
0xab: {  	[sflag:s22] =	ssyncadd.s32 $0xFFFFC000  }
0xac: {  	_ =	swait.ge [sflag:s22], $0x1000  }
0xad: {  	[sflag:s22] =	ssyncset.done $0x0  }
0xae: {  	s9 =	sadd.s32 @!p0 s15, s17;
	s0 =	simm.s32 @!p0 $0x6;
	[sflag:s22] =	ssyncadd.s32 $0xFFFFF000  }
0xaf: {  	s10 =	sshll.u32 @!p0 s9, $0xE;
	_ =	swait.ge @!p0 [sflag:s0], $0x4000  }
0xb0: {  	s10 =	sadd.s32 @!p0 s7, s10;
	[sflag:s0] =	ssyncset.done @!p0 $0x0  }
0xb1: {  	[sflag:s0] =	ssyncadd.s32 @!p0 $0xFFFFC000;
	s0 =	sshrl.u32 @!p0 s10, $0x3  }
0xb2: {  	s11 =	simm.s32 @!p0 $0xE400;
	s10 =	simm.s32 @!p0 $0x0;
	s0 =	sadd.s32 @!p0 s1, s0  }
0xb3: {  	[tilespmem:s11], [sflag:$0x2] =	stream.linear.gather @!p0 [hbm4b:s0+s10], $0x4000, $0x38;
	[tilespmem:$0x1B000] =	vst v63  }
0xb4: {  	s0 =	sshll.u32 @!p0 s9, $0xC  }
0xb5: {  	s0 =	sadd.s32 @!p0 s8, s0  }
0xb6: {  	s0 =	sshrl.u32 @!p0 s0, $0x3  }
0xb7: {  	s19 =	simm.s32 $0x5020;
	s9 =	simm.s32 @!p0 $0x7000;
	s0 =	sadd.s32 @!p0 s5, s0  }
0xb8: {  	[tilespmem:s9], [sflag:$0x2] =	stream.linear.gather @!p0 [hbm4b:s0+s10], $0x1000, $0x38;
	[tilespmem:$0x1B000] =	vst v63  }
0xb9: {  	s11 =	simm.s32 $0x0;
	v3 =	vld [tilespmem:s19+$0x10]  }
0xba: {  	s12 =	simm.s32 $0x30;
	s16 =	sand.u32 $0xF80, s11;
	v1 =	vld [tilespmem:s19+$0xFFFFFFF0]  }
0xbb: {  	s10 =	sor.u32 $0x8000, s16;
	s9 =	sand.u32 $0x70, s12;
	v2 =	vld [tilespmem:s19+$0x0]  }
0xbc: {  	s26 =	simm.s32 $0x10;
	s0 =	sand.u32 $0x40, s11;
	s9 =	sor.u32 s9, s10;
	v4 =	vld [tilespmem:s19+$0xFFFFFFE0]  }
0xbd: {  	s12 =	simm.s32 $0x20;
	s11 =	sand.u32 $0x50, s26;
	s0 =	sor.u32 s0, s10;
	v8 =	vld [tilespmem:s9+$0x0]  }
0xbe: {  	s16 =	sand.u32 $0x60, s12;
	s9 =	sor.u32 s11, s10;
	v6 =	vld [tilespmem:s0+$0x0]  }
0xbf: {  	s26 =	sor.u32 s16, s10;
	v7 =	vld [tilespmem:s9+$0x0]  }
0xc0: {  	s28 =	sor.u32 $0x2, s15;
	v5 =	vld [tilespmem:s26+$0x0];
	s26 =	simm.s32 $0x0;
	s9 =	simm.s32 $0x70  }
.LBB2_11:
0xc1: {  	s0 =	sadd.s32 $0xFFFFFFD0, s9  }
0xc2: {  	s26 =	sadd.s32 $0x4, s26;
	[tilespmem:v3+s25+$0x0] =	vst.idx.msk $0xffff, v8;
	s19 =	sadd.s32 $0x40, s19;
	s11 =	sadd.s32 $0xFFFFFFE0, s9  }
0xc3: {  	s12 =	sadd.s32 $0xFFFFFFF0, s9;
	s10 =	sand.u32 $0xF80, s0;
	v3 =	vld [tilespmem:s19+$0x10];
	p1 =	slt.u32 s26, $0xFC;
	v9 =	vmov v6  }
0xc4: {  	s16 =	sand.u32 $0x70, s9;
	s0 =	sand.u32 $0x40, s0;
	s10 =	sor.u32 $0x8000, s10;
	[tilespmem:v1+s25+$0x0] =	vst.idx.msk $0xffff, v7;
	v1 =	vld [tilespmem:s19+$0xFFFFFFF0]  }
0xc5: {  	s11 =	sand.u32 $0x50, s11;
	s12 =	sand.u32 $0x60, s12;
	s16 =	sor.u32 s16, s10;
	[tilespmem:v2+s25+$0x0] =	vst.idx.msk $0xffff, v5;
	v2 =	vld [tilespmem:s19+$0x0]  }
.Ltmp4:
0xc6: {  	s0 =	sor.u32 s0, s10;
	s11 =	sor.u32 s11, s10;
	v8 =	vld [tilespmem:s16+$0x0];
	(pc) =	sbr.rel @p1 .LBB2_11-.Ltmp4, $4  }
0xc7: {  	v6 =	vld [tilespmem:s0+$0x0];
	s0 =	sor.u32 s12, s10  }
0xc8: {  	v7 =	vld [tilespmem:s11+$0x0]  }
0xc9: {  	v5 =	vld [tilespmem:s0+$0x0];
	[tilespmem:v4+s25+$0x0] =	vst.idx.msk $0xffff, v9  }
0xca: {  	s9 =	sadd.s32 $0x40, s9;
	v4 =	vld [tilespmem:s19+$0xFFFFFFE0]  }
0xcb: {  	_ =	sdelay $0x3  }
0xcc: {  	s0 =	sadd.s32 s6, s28  }
0xcd: {  	[tilespmem:v3+s25+$0x0] =	vst.idx.msk $0xffff, v8;
	s0 =	sshll.u32 s0, $0xE  }
0xce: {  	[tilespmem:v1+s25+$0x0] =	vst.idx.msk $0xffff, v7;
	s0 =	sadd.s32 s7, s0  }
0xcf: {  	[tilespmem:v2+s25+$0x0] =	vst.idx.msk $0xffff, v5;
	s0 =	sshrl.u32 s0, $0x3  }
0xd0: {  	[tilespmem:v4+s25+$0x0] =	vst.idx.msk $0xffff, v6;
	s0 =	sadd.s32 s3, s0  }
0xd1: {  	[hbm4b:s0+s4] =	stream.linear.scatter [tilespmem:s25], [sflag:$0x7], $0x4000, $0x38;
	[tilespmem:$0x1B000] =	vst v63  }
0xd2: {  	_ =	swait.ge [sflag:s24], $0x4000  }
0xd3: {  	[sflag:s24] =	ssyncset.done $0x0  }
0xd4: {  	[sflag:s24] =	ssyncadd.s32 $0xFFFFC000  }
0xd5: {  	_ =	swait.ge [sflag:s24], $0x1000  }
0xd6: {  	[sflag:s24] =	ssyncset.done $0x0  }
0xd7: {  	s9 =	sadd.s32 @!p0 s15, s18;
	s0 =	simm.s32 @!p0 $0x7;
	[sflag:s24] =	ssyncadd.s32 $0xFFFFF000  }
0xd8: {  	s10 =	sshll.u32 @!p0 s9, $0xE;
	_ =	swait.ge @!p0 [sflag:s0], $0x4000  }
0xd9: {  	s10 =	sadd.s32 @!p0 s7, s10;
	[sflag:s0] =	ssyncset.done @!p0 $0x0  }
0xda: {  	[sflag:s0] =	ssyncadd.s32 @!p0 $0xFFFFC000;
	s0 =	sshrl.u32 @!p0 s10, $0x3  }
0xdb: {  	s11 =	simm.s32 @!p0 $0x12800;
	s10 =	simm.s32 @!p0 $0x0;
	s0 =	sadd.s32 @!p0 s1, s0  }
0xdc: {  	[tilespmem:s11], [sflag:$0x3] =	stream.linear.gather @!p0 [hbm4b:s0+s10], $0x4000, $0x38;
	[tilespmem:$0x1B000] =	vst v63  }
0xdd: {  	s0 =	sshll.u32 @!p0 s9, $0xC  }
0xde: {  	s0 =	sadd.s32 @!p0 s8, s0  }
0xdf: {  	s0 =	sshrl.u32 @!p0 s0, $0x3  }
0xe0: {  	s15 =	simm.s32 $0x5020;
	s9 =	simm.s32 @!p0 $0x8000;
	s0 =	sadd.s32 @!p0 s5, s0  }
0xe1: {  	[tilespmem:s9], [sflag:$0x3] =	stream.linear.gather @!p0 [hbm4b:s0+s10], $0x1000, $0x38;
	[tilespmem:$0x1B000] =	vst v63  }
0xe2: {  	s28 =	simm.s32 $0x0;
	v2 =	vld [tilespmem:s15+$0x10]  }
0xe3: {  	s12 =	sand.u32 $0xF80, s28;
	s11 =	simm.s32 $0x30;
	v1 =	vld [tilespmem:s15+$0xFFFFFFF0]  }
0xe4: {  	s10 =	sor.u32 $0x9000, s12;
	s9 =	sand.u32 $0x70, s11;
	v3 =	vld [tilespmem:s15+$0x0]  }
0xe5: {  	s16 =	simm.s32 $0x10;
	s0 =	sand.u32 $0x40, s28;
	s9 =	sor.u32 s9, s10;
	v4 =	vld [tilespmem:s15+$0xFFFFFFE0]  }
0xe6: {  	s12 =	simm.s32 $0x20;
	s11 =	sand.u32 $0x50, s16;
	s0 =	sor.u32 s0, s10;
	v8 =	vld [tilespmem:s9+$0x0]  }
0xe7: {  	s19 =	sor.u32 s11, s10;
	s26 =	sand.u32 $0x60, s12;
	v6 =	vld [tilespmem:s0+$0x0]  }
0xe8: {  	s28 =	sor.u32 s26, s10;
	v7 =	vld [tilespmem:s19+$0x0]  }
0xe9: {  	s19 =	simm.s32 $0x0;
	s9 =	simm.s32 $0x70;
	v5 =	vld [tilespmem:s28+$0x0]  }
.LBB2_13:
0xea: {  	s0 =	sadd.s32 $0xFFFFFFD0, s9  }
0xeb: {  	s19 =	sadd.s32 $0x4, s19;
	[tilespmem:v2+s31+$0x0] =	vst.idx.msk $0xffff, v8;
	s15 =	sadd.s32 $0x40, s15;
	s11 =	sadd.s32 $0xFFFFFFE0, s9  }
0xec: {  	s12 =	sadd.s32 $0xFFFFFFF0, s9;
	s10 =	sand.u32 $0xF80, s0;
	v2 =	vld [tilespmem:s15+$0x10];
	p0 =	slt.u32 s19, $0xFC;
	v9 =	vmov v6  }
0xed: {  	s16 =	sand.u32 $0x70, s9;
	s0 =	sand.u32 $0x40, s0;
	s10 =	sor.u32 $0x9000, s10;
	[tilespmem:v1+s31+$0x0] =	vst.idx.msk $0xffff, v7;
	v1 =	vld [tilespmem:s15+$0xFFFFFFF0]  }
0xee: {  	s11 =	sand.u32 $0x50, s11;
	s12 =	sand.u32 $0x60, s12;
	s16 =	sor.u32 s16, s10;
	[tilespmem:v3+s31+$0x0] =	vst.idx.msk $0xffff, v5;
	v3 =	vld [tilespmem:s15+$0x0]  }
.Ltmp5:
0xef: {  	s0 =	sor.u32 s0, s10;
	s11 =	sor.u32 s11, s10;
	v8 =	vld [tilespmem:s16+$0x0];
	(pc) =	sbr.rel @p0 .LBB2_13-.Ltmp5, $4  }
0xf0: {  	v6 =	vld [tilespmem:s0+$0x0];
	s0 =	sor.u32 s12, s10  }
0xf1: {  	v7 =	vld [tilespmem:s11+$0x0]  }
0xf2: {  	v5 =	vld [tilespmem:s0+$0x0];
	[tilespmem:v4+s31+$0x0] =	vst.idx.msk $0xffff, v9  }
0xf3: {  	s9 =	sadd.s32 $0x40, s9;
	v4 =	vld [tilespmem:s15+$0xFFFFFFE0]  }
0xf4: {  	_ =	sdelay $0x2  }
0xf5: {  	s13 =	sadd.s32 $0x1, s13  }
0xf6: {  	p0 =	sne.s32 s13, $0x10  }
.Ltmp6:
0xf7: {  	[tilespmem:v2+s31+$0x0] =	vst.idx.msk $0xffff, v8;
	(pc) =	sbr.rel @p0 .LBB2_6-.Ltmp6, $4  }
0xf8: {  	[tilespmem:v1+s31+$0x0] =	vst.idx.msk $0xffff, v7  }
0xf9: {  	[tilespmem:v3+s31+$0x0] =	vst.idx.msk $0xffff, v5  }
0xfa: {  	s0 =	sadd.s32 s3, s14;
	[tilespmem:v4+s31+$0x0] =	vst.idx.msk $0xffff, v6  }
0xfb: {  	[hbm4b:s0+s4] =	stream.linear.scatter [tilespmem:s31], [sflag:$0x8], $0x4000, $0x38;
	[tilespmem:$0x1B000] =	vst v63  }
0xfc: {  	s0 =	simm.s32 $0x5  }
0xfd: {  	_ =	swait.ge [sflag:s0], $0x4000  }
0xfe: {  	[sflag:s0] =	ssyncset.done $0x0  }
0xff: {  	s19 =	simm.s32 $0x6;
	[sflag:s0] =	ssyncadd.s32 $0xFFFFC000  }
0x100: {  	_ =	swait.ge [sflag:s19], $0x4000  }
0x101: {  	[sflag:s19] =	ssyncset.done $0x0  }
0x102: {  	s26 =	simm.s32 $0x7;
	[sflag:s19] =	ssyncadd.s32 $0xFFFFC000  }
0x103: {  	_ =	swait.ge [sflag:s26], $0x4000  }
0x104: {  	[sflag:s26] =	ssyncset.done $0x0  }
0x105: {  	s9 =	simm.s32 $0x8;
	[sflag:s26] =	ssyncadd.s32 $0xFFFFC000  }
0x106: {  	_ =	swait.ge [sflag:s9], $0x4000  }
0x107: {  	s10 =	rddreg [dreg:$0xd]  }
0x108: {  	s28 =	rddreg [dreg:$0xc];
	s10 =	sadd.s32 $0x1, s10  }
0x109: {  	p0 =	sne.s32 s10, s28  }
.Ltmp7:
0x10a: {  	_ = 	snop;
	(pc) =	sbr.rel @p0 .LBB2_1-.Ltmp7, $3  }
0x10b: {  	_ =	sdelay $0x1  }
0x10c: {  	[sflag:s9] =	ssyncset.done $0x0  }
0x10d: {  	[sflag:s9] =	ssyncadd.s32 $0xFFFFC000  }
0x10e: {  	_ =	sfence.sel $0x180000  }
0x10f: {  	[bflag:$0x0] =	sbarrier.arrive $0xFFFF  }
0x110: {  	_ =	strace $0x90000047  }
0x111: {  	s0 =	stileid.u32;
	[bflag:$0x2] =	sbarrier.arrive $0xFFFF  }
0x112: {  	p0 =	sne.s32 s0, $0x0;
	s0 =	rddreg [dreg:$0x3]  }
0x113: {  	s0 =	sadd.s32 @!p0 $0x100000, s0  }
0x114: {  	[sflag:s0] =	ssyncadd.tile.s32 @!p0 $0x1;
	_ =	shalt  }
.Lfunc_end2:
_tile_overlayer_lowered:
.L_overlay_start_2:
0x115: {  	(tag) =	ssettag $0x2  }
0x116: {  	s0 =	rddreg [dreg:$0x0];
	s2 =	stileid.u32  }
0x117: {  	s1 =	rddreg [dreg:$0x1];
	p0 =	sne.s32 s2, $0x0  }
0x118: {  	s3 =	rddreg [dreg:$0x2];
	[bflag:$0x3] =	sbarrier.arrive $0xFFFF;
	s2 =	simm.s32 @!p0 $0x1C09  }
0x119: {  	[timem:s3], [sflag:s2] =	dma.local @!p0 [hbm:s0], s1  }
0x11a: {  	s0 =	simm.s32 @!p0 $0x9  }
0x11b: {  	_ =	swait.ge @!p0 [sflag:s0], s1  }
0x11c: {  	s1 =	ssub.s32 @!p0 $0x0, s1;
	[sflag:s0] =	ssyncset.done @!p0 $0x0  }
0x11d: {  	[sflag:s0] =	ssyncadd.s32 @!p0 s1  }
0x11e: {  	[bflag:$0x3] =	sbarrier.arrive $0xFFFF  }
0x11f: {  	_ =	shalt  }

</sc_bundles>
